<compile_context>
chip_gen: v7x
topology: tpu7x:2x2x1
jax: 0.10.2.dev20260603
libtpu: 0.0.44.dev20260713+nightly
codegen_flags: <defaults>
</compile_context>

<pallas_src>
import functools

import jax
import jax.numpy as jnp
from jax import lax
from jax.experimental import pallas as pl
from jax.experimental.pallas import tpu as pltpu
from jax.experimental.pallas import tpu_sc as plsc

_VOCAB = 100000
_D = 128
_MD = 2048
_L = 16
_NC = 2
_NS = 16
_NW = _NC * _NS
_N = 4 * 4096
_SEQ = 4096
_SIZES = (2048, 4096, 4096, 6144)
_STARTS = (0, 2048, 6144, 10240)
_TOK_BLK = 1024


def _mod_vocab(v):
  q = (v.astype(jnp.float32) * (1.0 / _VOCAB)).astype(jnp.int32)
  r = v - q * _VOCAB
  r = jnp.where(r < 0, r + _VOCAB, r)
  return jnp.where(r >= _VOCAB, r - _VOCAB, r)


def _make_sc_gather(start, size):
  tpw = size // _NW
  mesh = plsc.VectorSubcoreMesh(
      core_axis_name="c", subcore_axis_name="s",
      num_cores=_NC, num_subcores=_NS)

  @functools.partial(
      pl.kernel,
      out_type=[jax.ShapeDtypeStruct((size, _D), jnp.float32),
                jax.ShapeDtypeStruct((size, _D), jnp.float32)],
      mesh=mesh,
      scratch_types=[
          pltpu.VMEM((tpw + 8,), jnp.int32),
          pltpu.VMEM((tpw,), jnp.int32),
          pltpu.VMEM((tpw,), jnp.int32),
          pltpu.VMEM((tpw, _D), jnp.float32),
          pltpu.VMEM((tpw, _D), jnp.float32),
          pltpu.SemaphoreType.DMA,
          pltpu.SemaphoreType.DMA,
          pltpu.SemaphoreType.DMA,
      ],
  )
  def k(xp_hbm, e1_hbm, e2_hbm, o1_hbm, o2_hbm,
        xe_v, i1_v, i2_v, r1_v, r2_v, s1, s2, s3):
    wid = lax.axis_index("s") * _NC + lax.axis_index("c")
    base = pl.multiple_of(wid * tpw, 8)
    pltpu.sync_copy(xp_hbm.at[pl.ds(start + base, tpw + 8)], xe_v)

    lanes = lax.iota(jnp.int32, _L)
    gm1 = lanes + (start + wid * tpw - 1)

    def hash_step(i, _):
      t0 = i * _L
      prev = xe_v[pl.ds(t0 + 7, _L)]
      cur = xe_v[pl.ds(t0 + 8, _L)]
      edge = ((gm1 + t0) & (_SEQ - 1)) == (_SEQ - 1)
      prev = jnp.where(edge, jnp.zeros((_L,), jnp.int32), prev)
      i1_v[pl.ds(t0, _L)] = _mod_vocab(prev * 1024 + cur)
      i2_v[pl.ds(t0, _L)] = _mod_vocab(prev + cur * 31)
      return _
    lax.fori_loop(0, tpw // _L, hash_step, None)
    gathers = []
    for off in range(0, tpw, 128):
      sz = min(128, tpw - off)
      gathers.append(pltpu.async_copy(
          e1_hbm.at[i1_v.at[pl.ds(off, sz)]], r1_v.at[pl.ds(off, sz)], s1))
      gathers.append(pltpu.async_copy(
          e2_hbm.at[i2_v.at[pl.ds(off, sz)]], r2_v.at[pl.ds(off, sz)], s2))
    for g in gathers:
      g.wait()
    w1 = pltpu.async_copy(r1_v, o1_hbm.at[pl.ds(base, tpw)], s3)
    pltpu.sync_copy(r2_v, o2_hbm.at[pl.ds(base, tpw)])
    w1.wait()

  return k


def _tc_matmul_chunk(e1_c, e2_c, w_b, out_buf, start, size):
  nblk = size // _TOK_BLK
  blk0 = start // _TOK_BLK
  def body(e1_ref, e2_ref, w_ref, *rest):
    o_ref = rest[-1]
    a = jnp.concatenate([e1_ref[...], e2_ref[...]], axis=-1)
    o_ref[...] = lax.dot_general(
        a.astype(jnp.bfloat16), w_ref[...], (((1,), (1,)), ((), ())),
        preferred_element_type=jnp.float32)

  in_specs = [
      pl.BlockSpec((_TOK_BLK, _D), lambda i: (i, 0)),
      pl.BlockSpec((_TOK_BLK, _D), lambda i: (i, 0)),
      pl.BlockSpec((_MD, 2 * _D), lambda i: (0, 0)),
  ]
  operands = [e1_c, e2_c, w_b]
  aliases = {}
  if out_buf is not None:
    in_specs.append(pl.BlockSpec((8, 128), lambda i: (0, 0)))
    operands.append(out_buf)
    aliases = {3: 0}
  return pl.pallas_call(
      body,
      grid=(nblk,),
      in_specs=in_specs,
      out_specs=pl.BlockSpec((_TOK_BLK, _MD),
                             lambda i, b=blk0: (i + b, 0)),
      out_shape=jax.ShapeDtypeStruct((_N, _MD), jnp.float32),
      input_output_aliases=aliases,
  )(*operands)


def kernel(x, embed1, embed2, proj_w, gate):
  del gate
  b, s = x.shape
  xp = jnp.concatenate([jnp.zeros((8,), jnp.int32), x.reshape(-1)])
  w_b = proj_w.astype(jnp.bfloat16)

  es = [_make_sc_gather(st, sz)(xp, embed1, embed2)
        for st, sz in zip(_STARTS, _SIZES)]
  out = None
  for (st, sz), (e1_c, e2_c) in zip(zip(_STARTS, _SIZES), es):
    out = _tc_matmul_chunk(e1_c, e2_c, w_b, out, st, sz)
  return out.reshape(b, s, _MD)

# --- scband reference (transcript-rebuilt; emitter-appended) ---
"""Pipeline reference for scband-gated-bigram-hash-77695958385274 (READ-ONLY COPY).

The authoritative reference and input builder live on the scoring server;
editing this copy changes nothing except your own understanding.
"""

import jax, jax.numpy as jnp
import numpy as np

BIGRAM_VOCAB = 100000
BIGRAM_DIM = 128
MODEL_DIM = 2048
TOKEN_VOCAB = 32000
B, S = 4, 4096


def setup_inputs(seed: int = 0) -> dict:
    key = jax.random.key(seed)
    k0, k1, k2, k3 = jax.random.split(key, 4)
    x = jax.random.randint(k0, (B, S), 0, TOKEN_VOCAB, dtype=jnp.int32)
    embed1 = jax.random.normal(k1, (BIGRAM_VOCAB, BIGRAM_DIM), dtype=jnp.float32) * 0.02
    embed2 = jax.random.normal(k2, (BIGRAM_VOCAB, BIGRAM_DIM), dtype=jnp.float32) * 0.02
    proj_w = jax.random.normal(k3, (MODEL_DIM, 2 * BIGRAM_DIM), dtype=jnp.float32) * 0.02
    gate = jnp.ones((1, 1, 1), dtype=jnp.float32) * 0.5
    return {"x": x, "embed1": embed1, "embed2": embed2, "proj_w": proj_w, "gate": gate}


def reference(x, embed1, embed2, proj_w, gate):
    # prev = F.pad(x[:, :-1], (1, 0), value=0)
    prev = jnp.pad(x[:, :-1], ((0, 0), (1, 0)), constant_values=0)
    h1 = (prev * 1024 + x) % BIGRAM_VOCAB
    h2 = (prev + 31 * x) % BIGRAM_VOCAB
    e1 = jnp.take(embed1, h1, axis=0)
    e2 = jnp.take(embed2, h2, axis=0)
    g = jax.nn.sigmoid(gate)
    combined = g * e1 + (1.0 - g) * e2  # computed but unused, faithful to original
    out = jnp.concatenate([e1, e2], axis=-1) @ proj_w.T
    return out

if __name__ == "__main__":
    import jax
    _d = setup_inputs()
    print(jax.jit(kernel)(*tuple(_d.values())))

</pallas_src>

<mosaic_0001>
#map = affine_map<(d0, d1) -> (0)>
#map1 = affine_map<(d0, d1) -> (0, 0)>
module attributes {stable_mosaic.version = 14 : i64} {
  func.func @k(%arg0: i32, %arg1: i32, %arg2: memref<16392xi32, #tpu.memory_space<hbm>>, %arg3: memref<100000x128xf32, #tpu.memory_space<hbm>>, %arg4: memref<100000x128xf32, #tpu.memory_space<hbm>>, %arg5: memref<4096x128xf32, #tpu.memory_space<hbm>>, %arg6: memref<4096x128xf32, #tpu.memory_space<hbm>>, %arg7: memref<136xi32, #tpu.memory_space<vmem>>, %arg8: memref<128xi32, #tpu.memory_space<vmem>>, %arg9: memref<128xi32, #tpu.memory_space<vmem>>, %arg10: memref<128x128xf32, #tpu.memory_space<vmem>>, %arg11: memref<128x128xf32, #tpu.memory_space<vmem>>, %arg12: memref<!tpu.dma_semaphore, #tpu.memory_space<semaphore_mem>>, %arg13: memref<!tpu.dma_semaphore, #tpu.memory_space<semaphore_mem>>, %arg14: memref<!tpu.dma_semaphore, #tpu.memory_space<semaphore_mem>>) attributes {dimension_semantics = [#tpu.dimension_semantics<core_parallel>, #tpu.dimension_semantics<subcore_parallel>], iteration_bounds = array<i64: 2, 16>, scalar_prefetch = 0 : i64, scratch_operands = 8 : i64, tpu.core_type = #tpu.core_type<sc_vector_subcore>, window_params = [{transform_indices = #map}, {transform_indices = #map1}, {transform_indices = #map1}, {transform_indices = #map1}, {transform_indices = #map1}]} {
    %mul3A = arith.constant 2 : i32
    %mul3A_0 = arith.muli %arg1, %mul3A : i32
    %add3A = arith.addi %mul3A_0, %arg0 : i32
    %mul3A_1 = arith.constant 128 : i32
    %mul3A_2 = arith.muli %add3A, %mul3A_1 : i32
    %multiple_of3A = tpu.assume_multiple %mul3A_2, 8 : i32
    %add3A_3 = arith.constant 2048 : i32
    %add3A_4 = arith.addi %add3A_3, %multiple_of3A : i32
    "tpu.region"() ({
      %run_scoped3A = tpu.sem_alloc : memref<!tpu.dma_semaphore, #tpu.memory_space<semaphore_mem>>
      %dma_start3A_54 = tpu.memref_slice %arg2[%add3A_4] : memref<16392xi32, #tpu.memory_space<hbm>> -> memref<136xi32, #tpu.memory_space<hbm>>
      %dma_start3A_55 = tpu.memref_slice %arg2[%add3A_4] : memref<16392xi32, #tpu.memory_space<hbm>> -> memref<136xi32, #tpu.memory_space<hbm>>
      tpu.enqueue_dma source(%dma_start3A_55 : memref<136xi32, #tpu.memory_space<hbm>>) target(%arg7 : memref<136xi32, #tpu.memory_space<vmem>>) target_semaphore(%run_scoped3A : memref<!tpu.dma_semaphore, #tpu.memory_space<semaphore_mem>>)
      %dma_wait3A_56 = tpu.memref_slice %arg2[%add3A_4] : memref<16392xi32, #tpu.memory_space<hbm>> -> memref<136xi32, #tpu.memory_space<hbm>>
      %dma_wait3A_57 = tpu.memref_slice %arg2[%add3A_4] : memref<16392xi32, #tpu.memory_space<hbm>> -> memref<136xi32, #tpu.memory_space<hbm>>
      tpu.wait_dma2 semaphore(%run_scoped3A : memref<!tpu.dma_semaphore, #tpu.memory_space<semaphore_mem>>) src(%dma_wait3A_57 : memref<136xi32, #tpu.memory_space<hbm>>) dst(%arg7 : memref<136xi32, #tpu.memory_space<vmem>>)
      tpu.yield
    }) : () -> ()
    %iota3A = tpu.iota {dimensions = array<i32: 0>} : vector<16xi32>
    %mul3A_5 = arith.constant 128 : i32
    %mul3A_6 = arith.muli %add3A, %mul3A_5 : i32
    %add3A_7 = arith.constant 2048 : i32
    %add3A_8 = arith.addi %add3A_7, %mul3A_6 : i32
    %sub3A = arith.constant 1 : i32
    %sub3A_9 = arith.subi %add3A_8, %sub3A : i32
    %add3A_10 = vector.broadcast %sub3A_9 : i32 to vector<16xi32>
    %add3A_11 = arith.addi %iota3A, %add3A_10 : vector<16xi32>
    %scan3A = arith.constant 0 : i32
    %scan3A_12 = arith.constant 8 : i32
    %scan3A_13 = arith.addi %scan3A, %scan3A_12 : i32
    %scan3A_14 = arith.constant 1 : i32
    scf.for %scan3A_54 = %scan3A to %scan3A_13 step %scan3A_14  : i32 {
      %mul3A_55 = arith.constant 16 : i32
      %mul3A_56 = arith.muli %scan3A_54, %mul3A_55 : i32
      %add3A_57 = arith.constant 7 : i32
      %add3A_58 = arith.addi %mul3A_56, %add3A_57 : i32
      %get3A = arith.index_cast %add3A_58 : i32 to index
      %get3A_59 = tpu.vector_load %arg7[%get3A] {strides = array<i32>} : memref<136xi32, #tpu.memory_space<vmem>>, vector<16xi32>,
      %get3A_60 = vector.shape_cast %get3A_59 : vector<16xi32> to vector<16xi32>
      %add3A_61 = arith.constant 8 : i32
      %add3A_62 = arith.addi %mul3A_56, %add3A_61 : i32
      %get3A_63 = arith.index_cast %add3A_62 : i32 to index
      %get3A_64 = tpu.vector_load %arg7[%get3A_63] {strides = array<i32>} : memref<136xi32, #tpu.memory_space<vmem>>, vector<16xi32>,
      %get3A_65 = vector.shape_cast %get3A_64 : vector<16xi32> to vector<16xi32>
      %add3A_66 = vector.broadcast %mul3A_56 : i32 to vector<16xi32>
      %add3A_67 = arith.addi %add3A_11, %add3A_66 : vector<16xi32>
      %and3A = arith.constant 4095 : i32
      %and3A_68 = vector.broadcast %and3A : i32 to vector<16xi32>
      %and3A_69 = arith.andi %add3A_67, %and3A_68 : vector<16xi32>
      %eq3A = arith.constant 4095 : i32
      %eq3A_70 = vector.broadcast %eq3A : i32 to vector<16xi32>
      %eq3A_71 = arith.cmpi eq, %and3A_69, %eq3A_70 : vector<16xi32>
      %broadcast_in_dim3A = arith.constant 0 : i32
      %broadcast_in_dim3A_72 = vector.broadcast %broadcast_in_dim3A : i32 to vector<16xi32>
      %select_n3A = arith.select %eq3A_71, %broadcast_in_dim3A_72, %get3A_60 : vector<16xi1>, vector<16xi32>
      %mul3A_73 = arith.constant 1024 : i32
      %mul3A_74 = vector.broadcast %mul3A_73 : i32 to vector<16xi32>
      %mul3A_75 = arith.muli %select_n3A, %mul3A_74 : vector<16xi32>
      %add3A_76 = arith.addi %mul3A_75, %get3A_65 : vector<16xi32>
      %convert_element_type3A = arith.sitofp %add3A_76 : vector<16xi32> to vector<16xf32>
      %mul3A_77 = arith.constant 9.99999974E-6 : f32
      %mul3A_78 = vector.broadcast %mul3A_77 : f32 to vector<16xf32>
      %mul3A_79 = arith.mulf %convert_element_type3A, %mul3A_78 : vector<16xf32>
      %convert_element_type3A_80 = arith.fptosi %mul3A_79 : vector<16xf32> to vector<16xi32>
      %mul3A_81 = arith.constant 100000 : i32
      %mul3A_82 = vector.broadcast %mul3A_81 : i32 to vector<16xi32>
      %mul3A_83 = arith.muli %convert_element_type3A_80, %mul3A_82 : vector<16xi32>
      %sub3A_84 = arith.subi %add3A_76, %mul3A_83 : vector<16xi32>
      %lt3A = arith.constant 0 : i32
      %lt3A_85 = vector.broadcast %lt3A : i32 to vector<16xi32>
      %lt3A_86 = arith.cmpi slt, %sub3A_84, %lt3A_85 : vector<16xi32>
      %add3A_87 = arith.constant 100000 : i32
      %add3A_88 = vector.broadcast %add3A_87 : i32 to vector<16xi32>
      %add3A_89 = arith.addi %sub3A_84, %add3A_88 : vector<16xi32>
      %select_n3A_90 = arith.select %lt3A_86, %add3A_89, %sub3A_84 : vector<16xi1>, vector<16xi32>
      %ge3A = arith.constant 100000 : i32
      %ge3A_91 = vector.broadcast %ge3A : i32 to vector<16xi32>
      %ge3A_92 = arith.cmpi sge, %select_n3A_90, %ge3A_91 : vector<16xi32>
      %sub3A_93 = arith.constant 100000 : i32
      %sub3A_94 = vector.broadcast %sub3A_93 : i32 to vector<16xi32>
      %sub3A_95 = arith.subi %select_n3A_90, %sub3A_94 : vector<16xi32>
      %select_n3A_96 = arith.select %ge3A_92, %sub3A_95, %select_n3A_90 : vector<16xi1>, vector<16xi32>
      %swap3A = arith.index_cast %mul3A_56 : i32 to index
      %swap3A_97 = tpu.vector_load %arg8[%swap3A] {strides = array<i32>} : memref<128xi32, #tpu.memory_space<vmem>>, vector<16xi32>,
      %swap3A_98 = vector.shape_cast %swap3A_97 : vector<16xi32> to vector<16xi32>
      %swap3A_99 = vector.shape_cast %select_n3A_96 : vector<16xi32> to vector<16xi32>
      tpu.vector_store %arg8[%swap3A], %swap3A_99 {strides = array<i32>} : memref<128xi32, #tpu.memory_space<vmem>>, vector<16xi32>,
      %mul3A_100 = arith.constant 31 : i32
      %mul3A_101 = vector.broadcast %mul3A_100 : i32 to vector<16xi32>
      %mul3A_102 = arith.muli %get3A_65, %mul3A_101 : vector<16xi32>
      %add3A_103 = arith.addi %select_n3A, %mul3A_102 : vector<16xi32>
      %convert_element_type3A_104 = arith.sitofp %add3A_103 : vector<16xi32> to vector<16xf32>
      %mul3A_105 = arith.constant 9.99999974E-6 : f32
      %mul3A_106 = vector.broadcast %mul3A_105 : f32 to vector<16xf32>
      %mul3A_107 = arith.mulf %convert_element_type3A_104, %mul3A_106 : vector<16xf32>
      %convert_element_type3A_108 = arith.fptosi %mul3A_107 : vector<16xf32> to vector<16xi32>
      %mul3A_109 = arith.constant 100000 : i32
      %mul3A_110 = vector.broadcast %mul3A_109 : i32 to vector<16xi32>
      %mul3A_111 = arith.muli %convert_element_type3A_108, %mul3A_110 : vector<16xi32>
      %sub3A_112 = arith.subi %add3A_103, %mul3A_111 : vector<16xi32>
      %lt3A_113 = arith.constant 0 : i32
      %lt3A_114 = vector.broadcast %lt3A_113 : i32 to vector<16xi32>
      %lt3A_115 = arith.cmpi slt, %sub3A_112, %lt3A_114 : vector<16xi32>
      %add3A_116 = arith.constant 100000 : i32
      %add3A_117 = vector.broadcast %add3A_116 : i32 to vector<16xi32>
      %add3A_118 = arith.addi %sub3A_112, %add3A_117 : vector<16xi32>
      %select_n3A_119 = arith.select %lt3A_115, %add3A_118, %sub3A_112 : vector<16xi1>, vector<16xi32>
      %ge3A_120 = arith.constant 100000 : i32
      %ge3A_121 = vector.broadcast %ge3A_120 : i32 to vector<16xi32>
      %ge3A_122 = arith.cmpi sge, %select_n3A_119, %ge3A_121 : vector<16xi32>
      %sub3A_123 = arith.constant 100000 : i32
      %sub3A_124 = vector.broadcast %sub3A_123 : i32 to vector<16xi32>
      %sub3A_125 = arith.subi %select_n3A_119, %sub3A_124 : vector<16xi32>
      %select_n3A_126 = arith.select %ge3A_122, %sub3A_125, %select_n3A_119 : vector<16xi1>, vector<16xi32>
      %swap3A_127 = arith.index_cast %mul3A_56 : i32 to index
      %swap3A_128 = tpu.vector_load %arg9[%swap3A_127] {strides = array<i32>} : memref<128xi32, #tpu.memory_space<vmem>>, vector<16xi32>,
      %swap3A_129 = vector.shape_cast %swap3A_128 : vector<16xi32> to vector<16xi32>
      %swap3A_130 = vector.shape_cast %select_n3A_126 : vector<16xi32> to vector<16xi32>
      tpu.vector_store %arg9[%swap3A_127], %swap3A_130 {strides = array<i32>} : memref<128xi32, #tpu.memory_space<vmem>>, vector<16xi32>,
    }
    %scan3A_15 = arith.constant 8 : i32
    %dma_start3A = arith.constant 0 : i32
    %dma_start3A_16 = arith.constant 0 : i32
    %dma_start3A_17 = tpu.memref_slice %arg10[%dma_start3A, %dma_start3A_16] : memref<128x128xf32, #tpu.memory_space<vmem>> -> memref<128x128xf32, #tpu.memory_space<vmem>>
    %dma_start3A_18 = arith.constant 0 : i32
    %dma_start3A_19 = tpu.memref_slice %arg8[%dma_start3A_18] : memref<128xi32, #tpu.memory_space<vmem>> -> memref<128xi32, #tpu.memory_space<vmem>>
    %dma_start3A_20 = arith.constant 0 : i32
    %dma_start3A_21 = arith.constant 0 : i32
    %dma_start3A_22 = tpu.memref_slice %arg3[%dma_start3A_20, %dma_start3A_21] : memref<100000x128xf32, #tpu.memory_space<hbm>> -> memref<100000x128xf32, #tpu.memory_space<hbm>>
    tpu.enqueue_indirect_dma source(%dma_start3A_22 : memref<100000x128xf32, #tpu.memory_space<hbm>>) target(%dma_start3A_17 : memref<128x128xf32, #tpu.memory_space<vmem>>) offsets(%dma_start3A_19 : memref<128xi32, #tpu.memory_space<vmem>>) semaphore(%arg12 : memref<!tpu.dma_semaphore, #tpu.memory_space<semaphore_mem>>)
    %dma_start3A_23 = arith.constant 0 : i32
    %dma_start3A_24 = arith.constant 0 : i32
    %dma_start3A_25 = tpu.memref_slice %arg11[%dma_start3A_23, %dma_start3A_24] : memref<128x128xf32, #tpu.memory_space<vmem>> -> memref<128x128xf32, #tpu.memory_space<vmem>>
    %dma_start3A_26 = arith.constant 0 : i32
    %dma_start3A_27 = tpu.memref_slice %arg9[%dma_start3A_26] : memref<128xi32, #tpu.memory_space<vmem>> -> memref<128xi32, #tpu.memory_space<vmem>>
    %dma_start3A_28 = arith.constant 0 : i32
    %dma_start3A_29 = arith.constant 0 : i32
    %dma_start3A_30 = tpu.memref_slice %arg4[%dma_start3A_28, %dma_start3A_29] : memref<100000x128xf32, #tpu.memory_space<hbm>> -> memref<100000x128xf32, #tpu.memory_space<hbm>>
    tpu.enqueue_indirect_dma source(%dma_start3A_30 : memref<100000x128xf32, #tpu.memory_space<hbm>>) target(%dma_start3A_25 : memref<128x128xf32, #tpu.memory_space<vmem>>) offsets(%dma_start3A_27 : memref<128xi32, #tpu.memory_space<vmem>>) semaphore(%arg13 : memref<!tpu.dma_semaphore, #tpu.memory_space<semaphore_mem>>)
    %dma_wait3A = arith.constant 0 : i32
    %dma_wait3A_31 = arith.constant 0 : i32
    %dma_wait3A_32 = tpu.memref_slice %arg10[%dma_wait3A, %dma_wait3A_31] : memref<128x128xf32, #tpu.memory_space<vmem>> -> memref<128x128xf32, #tpu.memory_space<vmem>>
    %dma_wait3A_33 = arith.constant 0 : i32
    %dma_wait3A_34 = tpu.memref_slice %arg8[%dma_wait3A_33] : memref<128xi32, #tpu.memory_space<vmem>> -> memref<128xi32, #tpu.memory_space<vmem>>
    %dma_wait3A_35 = arith.constant 0 : i32
    %dma_wait3A_36 = arith.constant 0 : i32
    %dma_wait3A_37 = tpu.memref_slice %arg3[%dma_wait3A_35, %dma_wait3A_36] : memref<100000x128xf32, #tpu.memory_space<hbm>> -> memref<100000x128xf32, #tpu.memory_space<hbm>>
    tpu.wait_indirect_dma semaphore(%arg12 : memref<!tpu.dma_semaphore, #tpu.memory_space<semaphore_mem>>) src(%dma_wait3A_37 : memref<100000x128xf32, #tpu.memory_space<hbm>>) dst(%dma_wait3A_32 : memref<128x128xf32, #tpu.memory_space<vmem>>)
    %dma_wait3A_38 = arith.constant 0 : i32
    %dma_wait3A_39 = arith.constant 0 : i32
    %dma_wait3A_40 = tpu.memref_slice %arg11[%dma_wait3A_38, %dma_wait3A_39] : memref<128x128xf32, #tpu.memory_space<vmem>> -> memref<128x128xf32, #tpu.memory_space<vmem>>
    %dma_wait3A_41 = arith.constant 0 : i32
    %dma_wait3A_42 = tpu.memref_slice %arg9[%dma_wait3A_41] : memref<128xi32, #tpu.memory_space<vmem>> -> memref<128xi32, #tpu.memory_space<vmem>>
    %dma_wait3A_43 = arith.constant 0 : i32
    %dma_wait3A_44 = arith.constant 0 : i32
    %dma_wait3A_45 = tpu.memref_slice %arg4[%dma_wait3A_43, %dma_wait3A_44] : memref<100000x128xf32, #tpu.memory_space<hbm>> -> memref<100000x128xf32, #tpu.memory_space<hbm>>
    tpu.wait_indirect_dma semaphore(%arg13 : memref<!tpu.dma_semaphore, #tpu.memory_space<semaphore_mem>>) src(%dma_wait3A_45 : memref<100000x128xf32, #tpu.memory_space<hbm>>) dst(%dma_wait3A_40 : memref<128x128xf32, #tpu.memory_space<vmem>>)
    %dma_start3A_46 = arith.constant 0 : i32
    %dma_start3A_47 = tpu.memref_slice %arg5[%multiple_of3A, %dma_start3A_46] : memref<4096x128xf32, #tpu.memory_space<hbm>> -> memref<128x128xf32, #tpu.memory_space<hbm>>
    %dma_start3A_48 = arith.constant 0 : i32
    %dma_start3A_49 = tpu.memref_slice %arg5[%multiple_of3A, %dma_start3A_48] : memref<4096x128xf32, #tpu.memory_space<hbm>> -> memref<128x128xf32, #tpu.memory_space<hbm>>
    tpu.enqueue_dma source(%arg10 : memref<128x128xf32, #tpu.memory_space<vmem>>) target(%dma_start3A_49 : memref<128x128xf32, #tpu.memory_space<hbm>>) target_semaphore(%arg14 : memref<!tpu.dma_semaphore, #tpu.memory_space<semaphore_mem>>)
    "tpu.region"() ({
      %run_scoped3A = tpu.sem_alloc : memref<!tpu.dma_semaphore, #tpu.memory_space<semaphore_mem>>
      %dma_start3A_54 = arith.constant 0 : i32
      %dma_start3A_55 = tpu.memref_slice %arg6[%multiple_of3A, %dma_start3A_54] : memref<4096x128xf32, #tpu.memory_space<hbm>> -> memref<128x128xf32, #tpu.memory_space<hbm>>
      %dma_start3A_56 = arith.constant 0 : i32
      %dma_start3A_57 = tpu.memref_slice %arg6[%multiple_of3A, %dma_start3A_56] : memref<4096x128xf32, #tpu.memory_space<hbm>> -> memref<128x128xf32, #tpu.memory_space<hbm>>
      tpu.enqueue_dma source(%arg11 : memref<128x128xf32, #tpu.memory_space<vmem>>) target(%dma_start3A_57 : memref<128x128xf32, #tpu.memory_space<hbm>>) target_semaphore(%run_scoped3A : memref<!tpu.dma_semaphore, #tpu.memory_space<semaphore_mem>>)
      %dma_wait3A_58 = arith.constant 0 : i32
      %dma_wait3A_59 = tpu.memref_slice %arg6[%multiple_of3A, %dma_wait3A_58] : memref<4096x128xf32, #tpu.memory_space<hbm>> -> memref<128x128xf32, #tpu.memory_space<hbm>>
      %dma_wait3A_60 = arith.constant 0 : i32
      %dma_wait3A_61 = tpu.memref_slice %arg6[%multiple_of3A, %dma_wait3A_60] : memref<4096x128xf32, #tpu.memory_space<hbm>> -> memref<128x128xf32, #tpu.memory_space<hbm>>
      tpu.wait_dma2 semaphore(%run_scoped3A : memref<!tpu.dma_semaphore, #tpu.memory_space<semaphore_mem>>) src(%arg11 : memref<128x128xf32, #tpu.memory_space<vmem>>) dst(%dma_wait3A_61 : memref<128x128xf32, #tpu.memory_space<hbm>>)
      tpu.yield
    }) : () -> ()
    %dma_wait3A_50 = arith.constant 0 : i32
    %dma_wait3A_51 = tpu.memref_slice %arg5[%multiple_of3A, %dma_wait3A_50] : memref<4096x128xf32, #tpu.memory_space<hbm>> -> memref<128x128xf32, #tpu.memory_space<hbm>>
    %dma_wait3A_52 = arith.constant 0 : i32
    %dma_wait3A_53 = tpu.memref_slice %arg5[%multiple_of3A, %dma_wait3A_52] : memref<4096x128xf32, #tpu.memory_space<hbm>> -> memref<128x128xf32, #tpu.memory_space<hbm>>
    tpu.wait_dma2 semaphore(%arg14 : memref<!tpu.dma_semaphore, #tpu.memory_space<semaphore_mem>>) src(%arg10 : memref<128x128xf32, #tpu.memory_space<vmem>>) dst(%dma_wait3A_53 : memref<128x128xf32, #tpu.memory_space<hbm>>)
    return
  }
}

#map = affine_map<(d0, d1) -> (0)>
#map1 = affine_map<(d0, d1) -> (0, 0)>
module attributes {stable_mosaic.version = 14 : i64} {
  func.func @k(%arg0: i32, %arg1: i32, %arg2: memref<16392xi32, #tpu.memory_space<hbm>>, %arg3: memref<100000x128xf32, #tpu.memory_space<hbm>>, %arg4: memref<100000x128xf32, #tpu.memory_space<hbm>>, %arg5: memref<6144x128xf32, #tpu.memory_space<hbm>>, %arg6: memref<6144x128xf32, #tpu.memory_space<hbm>>, %arg7: memref<200xi32, #tpu.memory_space<vmem>>, %arg8: memref<192xi32, #tpu.memory_space<vmem>>, %arg9: memref<192xi32, #tpu.memory_space<vmem>>, %arg10: memref<192x128xf32, #tpu.memory_space<vmem>>, %arg11: memref<192x128xf32, #tpu.memory_space<vmem>>, %arg12: memref<!tpu.dma_semaphore, #tpu.memory_space<semaphore_mem>>, %arg13: memref<!tpu.dma_semaphore, #tpu.memory_space<semaphore_mem>>, %arg14: memref<!tpu.dma_semaphore, #tpu.memory_space<semaphore_mem>>) attributes {dimension_semantics = [#tpu.dimension_semantics<core_parallel>, #tpu.dimension_semantics<subcore_parallel>], iteration_bounds = array<i64: 2, 16>, scalar_prefetch = 0 : i64, scratch_operands = 8 : i64, tpu.core_type = #tpu.core_type<sc_vector_subcore>, window_params = [{transform_indices = #map}, {transform_indices = #map1}, {transform_indices = #map1}, {transform_indices = #map1}, {transform_indices = #map1}]} {
    %mul3A = arith.constant 2 : i32
    %mul3A_0 = arith.muli %arg1, %mul3A : i32
    %add3A = arith.addi %mul3A_0, %arg0 : i32
    %mul3A_1 = arith.constant 192 : i32
    %mul3A_2 = arith.muli %add3A, %mul3A_1 : i32
    %multiple_of3A = tpu.assume_multiple %mul3A_2, 8 : i32
    %add3A_3 = arith.constant 10240 : i32
    %add3A_4 = arith.addi %add3A_3, %multiple_of3A : i32
    "tpu.region"() ({
      %run_scoped3A = tpu.sem_alloc : memref<!tpu.dma_semaphore, #tpu.memory_space<semaphore_mem>>
      %dma_start3A_86 = tpu.memref_slice %arg2[%add3A_4] : memref<16392xi32, #tpu.memory_space<hbm>> -> memref<200xi32, #tpu.memory_space<hbm>>
      %dma_start3A_87 = tpu.memref_slice %arg2[%add3A_4] : memref<16392xi32, #tpu.memory_space<hbm>> -> memref<200xi32, #tpu.memory_space<hbm>>
      tpu.enqueue_dma source(%dma_start3A_87 : memref<200xi32, #tpu.memory_space<hbm>>) target(%arg7 : memref<200xi32, #tpu.memory_space<vmem>>) target_semaphore(%run_scoped3A : memref<!tpu.dma_semaphore, #tpu.memory_space<semaphore_mem>>)
      %dma_wait3A_88 = tpu.memref_slice %arg2[%add3A_4] : memref<16392xi32, #tpu.memory_space<hbm>> -> memref<200xi32, #tpu.memory_space<hbm>>
      %dma_wait3A_89 = tpu.memref_slice %arg2[%add3A_4] : memref<16392xi32, #tpu.memory_space<hbm>> -> memref<200xi32, #tpu.memory_space<hbm>>
      tpu.wait_dma2 semaphore(%run_scoped3A : memref<!tpu.dma_semaphore, #tpu.memory_space<semaphore_mem>>) src(%dma_wait3A_89 : memref<200xi32, #tpu.memory_space<hbm>>) dst(%arg7 : memref<200xi32, #tpu.memory_space<vmem>>)
      tpu.yield
    }) : () -> ()
    %iota3A = tpu.iota {dimensions = array<i32: 0>} : vector<16xi32>
    %mul3A_5 = arith.constant 192 : i32
    %mul3A_6 = arith.muli %add3A, %mul3A_5 : i32
    %add3A_7 = arith.constant 10240 : i32
    %add3A_8 = arith.addi %add3A_7, %mul3A_6 : i32
    %sub3A = arith.constant 1 : i32
    %sub3A_9 = arith.subi %add3A_8, %sub3A : i32
    %add3A_10 = vector.broadcast %sub3A_9 : i32 to vector<16xi32>
    %add3A_11 = arith.addi %iota3A, %add3A_10 : vector<16xi32>
    %scan3A = arith.constant 0 : i32
    %scan3A_12 = arith.constant 12 : i32
    %scan3A_13 = arith.addi %scan3A, %scan3A_12 : i32
    %scan3A_14 = arith.constant 1 : i32
    scf.for %scan3A_86 = %scan3A to %scan3A_13 step %scan3A_14  : i32 {
      %mul3A_87 = arith.constant 16 : i32
      %mul3A_88 = arith.muli %scan3A_86, %mul3A_87 : i32
      %add3A_89 = arith.constant 7 : i32
      %add3A_90 = arith.addi %mul3A_88, %add3A_89 : i32
      %get3A = arith.index_cast %add3A_90 : i32 to index
      %get3A_91 = tpu.vector_load %arg7[%get3A] {strides = array<i32>} : memref<200xi32, #tpu.memory_space<vmem>>, vector<16xi32>,
      %get3A_92 = vector.shape_cast %get3A_91 : vector<16xi32> to vector<16xi32>
      %add3A_93 = arith.constant 8 : i32
      %add3A_94 = arith.addi %mul3A_88, %add3A_93 : i32
      %get3A_95 = arith.index_cast %add3A_94 : i32 to index
      %get3A_96 = tpu.vector_load %arg7[%get3A_95] {strides = array<i32>} : memref<200xi32, #tpu.memory_space<vmem>>, vector<16xi32>,
      %get3A_97 = vector.shape_cast %get3A_96 : vector<16xi32> to vector<16xi32>
      %add3A_98 = vector.broadcast %mul3A_88 : i32 to vector<16xi32>
      %add3A_99 = arith.addi %add3A_11, %add3A_98 : vector<16xi32>
      %and3A = arith.constant 4095 : i32
      %and3A_100 = vector.broadcast %and3A : i32 to vector<16xi32>
      %and3A_101 = arith.andi %add3A_99, %and3A_100 : vector<16xi32>
      %eq3A = arith.constant 4095 : i32
      %eq3A_102 = vector.broadcast %eq3A : i32 to vector<16xi32>
      %eq3A_103 = arith.cmpi eq, %and3A_101, %eq3A_102 : vector<16xi32>
      %broadcast_in_dim3A = arith.constant 0 : i32
      %broadcast_in_dim3A_104 = vector.broadcast %broadcast_in_dim3A : i32 to vector<16xi32>
      %select_n3A = arith.select %eq3A_103, %broadcast_in_dim3A_104, %get3A_92 : vector<16xi1>, vector<16xi32>
      %mul3A_105 = arith.constant 1024 : i32
      %mul3A_106 = vector.broadcast %mul3A_105 : i32 to vector<16xi32>
      %mul3A_107 = arith.muli %select_n3A, %mul3A_106 : vector<16xi32>
      %add3A_108 = arith.addi %mul3A_107, %get3A_97 : vector<16xi32>
      %convert_element_type3A = arith.sitofp %add3A_108 : vector<16xi32> to vector<16xf32>
      %mul3A_109 = arith.constant 9.99999974E-6 : f32
      %mul3A_110 = vector.broadcast %mul3A_109 : f32 to vector<16xf32>
      %mul3A_111 = arith.mulf %convert_element_type3A, %mul3A_110 : vector<16xf32>
      %convert_element_type3A_112 = arith.fptosi %mul3A_111 : vector<16xf32> to vector<16xi32>
      %mul3A_113 = arith.constant 100000 : i32
      %mul3A_114 = vector.broadcast %mul3A_113 : i32 to vector<16xi32>
      %mul3A_115 = arith.muli %convert_element_type3A_112, %mul3A_114 : vector<16xi32>
      %sub3A_116 = arith.subi %add3A_108, %mul3A_115 : vector<16xi32>
      %lt3A = arith.constant 0 : i32
      %lt3A_117 = vector.broadcast %lt3A : i32 to vector<16xi32>
      %lt3A_118 = arith.cmpi slt, %sub3A_116, %lt3A_117 : vector<16xi32>
      %add3A_119 = arith.constant 100000 : i32
      %add3A_120 = vector.broadcast %add3A_119 : i32 to vector<16xi32>
      %add3A_121 = arith.addi %sub3A_116, %add3A_120 : vector<16xi32>
      %select_n3A_122 = arith.select %lt3A_118, %add3A_121, %sub3A_116 : vector<16xi1>, vector<16xi32>
      %ge3A = arith.constant 100000 : i32
      %ge3A_123 = vector.broadcast %ge3A : i32 to vector<16xi32>
      %ge3A_124 = arith.cmpi sge, %select_n3A_122, %ge3A_123 : vector<16xi32>
      %sub3A_125 = arith.constant 100000 : i32
      %sub3A_126 = vector.broadcast %sub3A_125 : i32 to vector<16xi32>
      %sub3A_127 = arith.subi %select_n3A_122, %sub3A_126 : vector<16xi32>
      %select_n3A_128 = arith.select %ge3A_124, %sub3A_127, %select_n3A_122 : vector<16xi1>, vector<16xi32>
      %swap3A = arith.index_cast %mul3A_88 : i32 to index
      %swap3A_129 = tpu.vector_load %arg8[%swap3A] {strides = array<i32>} : memref<192xi32, #tpu.memory_space<vmem>>, vector<16xi32>,
      %swap3A_130 = vector.shape_cast %swap3A_129 : vector<16xi32> to vector<16xi32>
      %swap3A_131 = vector.shape_cast %select_n3A_128 : vector<16xi32> to vector<16xi32>
      tpu.vector_store %arg8[%swap3A], %swap3A_131 {strides = array<i32>} : memref<192xi32, #tpu.memory_space<vmem>>, vector<16xi32>,
      %mul3A_132 = arith.constant 31 : i32
      %mul3A_133 = vector.broadcast %mul3A_132 : i32 to vector<16xi32>
      %mul3A_134 = arith.muli %get3A_97, %mul3A_133 : vector<16xi32>
      %add3A_135 = arith.addi %select_n3A, %mul3A_134 : vector<16xi32>
      %convert_element_type3A_136 = arith.sitofp %add3A_135 : vector<16xi32> to vector<16xf32>
      %mul3A_137 = arith.constant 9.99999974E-6 : f32
      %mul3A_138 = vector.broadcast %mul3A_137 : f32 to vector<16xf32>
      %mul3A_139 = arith.mulf %convert_element_type3A_136, %mul3A_138 : vector<16xf32>
      %convert_element_type3A_140 = arith.fptosi %mul3A_139 : vector<16xf32> to vector<16xi32>
      %mul3A_141 = arith.constant 100000 : i32
      %mul3A_142 = vector.broadcast %mul3A_141 : i32 to vector<16xi32>
      %mul3A_143 = arith.muli %convert_element_type3A_140, %mul3A_142 : vector<16xi32>
      %sub3A_144 = arith.subi %add3A_135, %mul3A_143 : vector<16xi32>
      %lt3A_145 = arith.constant 0 : i32
      %lt3A_146 = vector.broadcast %lt3A_145 : i32 to vector<16xi32>
      %lt3A_147 = arith.cmpi slt, %sub3A_144, %lt3A_146 : vector<16xi32>
      %add3A_148 = arith.constant 100000 : i32
      %add3A_149 = vector.broadcast %add3A_148 : i32 to vector<16xi32>
      %add3A_150 = arith.addi %sub3A_144, %add3A_149 : vector<16xi32>
      %select_n3A_151 = arith.select %lt3A_147, %add3A_150, %sub3A_144 : vector<16xi1>, vector<16xi32>
      %ge3A_152 = arith.constant 100000 : i32
      %ge3A_153 = vector.broadcast %ge3A_152 : i32 to vector<16xi32>
      %ge3A_154 = arith.cmpi sge, %select_n3A_151, %ge3A_153 : vector<16xi32>
      %sub3A_155 = arith.constant 100000 : i32
      %sub3A_156 = vector.broadcast %sub3A_155 : i32 to vector<16xi32>
      %sub3A_157 = arith.subi %select_n3A_151, %sub3A_156 : vector<16xi32>
      %select_n3A_158 = arith.select %ge3A_154, %sub3A_157, %select_n3A_151 : vector<16xi1>, vector<16xi32>
      %swap3A_159 = arith.index_cast %mul3A_88 : i32 to index
      %swap3A_160 = tpu.vector_load %arg9[%swap3A_159] {strides = array<i32>} : memref<192xi32, #tpu.memory_space<vmem>>, vector<16xi32>,
      %swap3A_161 = vector.shape_cast %swap3A_160 : vector<16xi32> to vector<16xi32>
      %swap3A_162 = vector.shape_cast %select_n3A_158 : vector<16xi32> to vector<16xi32>
      tpu.vector_store %arg9[%swap3A_159], %swap3A_162 {strides = array<i32>} : memref<192xi32, #tpu.memory_space<vmem>>, vector<16xi32>,
    }
    %scan3A_15 = arith.constant 12 : i32
    %dma_start3A = arith.constant 0 : i32
    %dma_start3A_16 = arith.constant 0 : i32
    %dma_start3A_17 = tpu.memref_slice %arg10[%dma_start3A, %dma_start3A_16] : memref<192x128xf32, #tpu.memory_space<vmem>> -> memref<128x128xf32, #tpu.memory_space<vmem>>
    %dma_start3A_18 = arith.constant 0 : i32
    %dma_start3A_19 = tpu.memref_slice %arg8[%dma_start3A_18] : memref<192xi32, #tpu.memory_space<vmem>> -> memref<128xi32, #tpu.memory_space<vmem>>
    %dma_start3A_20 = arith.constant 0 : i32
    %dma_start3A_21 = arith.constant 0 : i32
    %dma_start3A_22 = tpu.memref_slice %arg3[%dma_start3A_20, %dma_start3A_21] : memref<100000x128xf32, #tpu.memory_space<hbm>> -> memref<100000x128xf32, #tpu.memory_space<hbm>>
    tpu.enqueue_indirect_dma source(%dma_start3A_22 : memref<100000x128xf32, #tpu.memory_space<hbm>>) target(%dma_start3A_17 : memref<128x128xf32, #tpu.memory_space<vmem>>) offsets(%dma_start3A_19 : memref<128xi32, #tpu.memory_space<vmem>>) semaphore(%arg12 : memref<!tpu.dma_semaphore, #tpu.memory_space<semaphore_mem>>)
    %dma_start3A_23 = arith.constant 0 : i32
    %dma_start3A_24 = arith.constant 0 : i32
    %dma_start3A_25 = tpu.memref_slice %arg11[%dma_start3A_23, %dma_start3A_24] : memref<192x128xf32, #tpu.memory_space<vmem>> -> memref<128x128xf32, #tpu.memory_space<vmem>>
    %dma_start3A_26 = arith.constant 0 : i32
    %dma_start3A_27 = tpu.memref_slice %arg9[%dma_start3A_26] : memref<192xi32, #tpu.memory_space<vmem>> -> memref<128xi32, #tpu.memory_space<vmem>>
    %dma_start3A_28 = arith.constant 0 : i32
    %dma_start3A_29 = arith.constant 0 : i32
    %dma_start3A_30 = tpu.memref_slice %arg4[%dma_start3A_28, %dma_start3A_29] : memref<100000x128xf32, #tpu.memory_space<hbm>> -> memref<100000x128xf32, #tpu.memory_space<hbm>>
    tpu.enqueue_indirect_dma source(%dma_start3A_30 : memref<100000x128xf32, #tpu.memory_space<hbm>>) target(%dma_start3A_25 : memref<128x128xf32, #tpu.memory_space<vmem>>) offsets(%dma_start3A_27 : memref<128xi32, #tpu.memory_space<vmem>>) semaphore(%arg13 : memref<!tpu.dma_semaphore, #tpu.memory_space<semaphore_mem>>)
    %dma_start3A_31 = arith.constant 128 : i32
    %dma_start3A_32 = arith.constant 0 : i32
    %dma_start3A_33 = tpu.memref_slice %arg10[%dma_start3A_31, %dma_start3A_32] : memref<192x128xf32, #tpu.memory_space<vmem>> -> memref<64x128xf32, #tpu.memory_space<vmem>>
    %dma_start3A_34 = arith.constant 128 : i32
    %dma_start3A_35 = tpu.memref_slice %arg8[%dma_start3A_34] : memref<192xi32, #tpu.memory_space<vmem>> -> memref<64xi32, #tpu.memory_space<vmem>>
    %dma_start3A_36 = arith.constant 0 : i32
    %dma_start3A_37 = arith.constant 0 : i32
    %dma_start3A_38 = tpu.memref_slice %arg3[%dma_start3A_36, %dma_start3A_37] : memref<100000x128xf32, #tpu.memory_space<hbm>> -> memref<100000x128xf32, #tpu.memory_space<hbm>>
    tpu.enqueue_indirect_dma source(%dma_start3A_38 : memref<100000x128xf32, #tpu.memory_space<hbm>>) target(%dma_start3A_33 : memref<64x128xf32, #tpu.memory_space<vmem>>) offsets(%dma_start3A_35 : memref<64xi32, #tpu.memory_space<vmem>>) semaphore(%arg12 : memref<!tpu.dma_semaphore, #tpu.memory_space<semaphore_mem>>)
    %dma_start3A_39 = arith.constant 128 : i32
    %dma_start3A_40 = arith.constant 0 : i32
    %dma_start3A_41 = tpu.memref_slice %arg11[%dma_start3A_39, %dma_start3A_40] : memref<192x128xf32, #tpu.memory_space<vmem>> -> memref<64x128xf32, #tpu.memory_space<vmem>>
    %dma_start3A_42 = arith.constant 128 : i32
    %dma_start3A_43 = tpu.memref_slice %arg9[%dma_start3A_42] : memref<192xi32, #tpu.memory_space<vmem>> -> memref<64xi32, #tpu.memory_space<vmem>>
    %dma_start3A_44 = arith.constant 0 : i32
    %dma_start3A_45 = arith.constant 0 : i32
    %dma_start3A_46 = tpu.memref_slice %arg4[%dma_start3A_44, %dma_start3A_45] : memref<100000x128xf32, #tpu.memory_space<hbm>> -> memref<100000x128xf32, #tpu.memory_space<hbm>>
    tpu.enqueue_indirect_dma source(%dma_start3A_46 : memref<100000x128xf32, #tpu.memory_space<hbm>>) target(%dma_start3A_41 : memref<64x128xf32, #tpu.memory_space<vmem>>) offsets(%dma_start3A_43 : memref<64xi32, #tpu.memory_space<vmem>>) semaphore(%arg13 : memref<!tpu.dma_semaphore, #tpu.memory_space<semaphore_mem>>)
    %dma_wait3A = arith.constant 0 : i32
    %dma_wait3A_47 = arith.constant 0 : i32
    %dma_wait3A_48 = tpu.memref_slice %arg10[%dma_wait3A, %dma_wait3A_47] : memref<192x128xf32, #tpu.memory_space<vmem>> -> memref<128x128xf32, #tpu.memory_space<vmem>>
    %dma_wait3A_49 = arith.constant 0 : i32
    %dma_wait3A_50 = tpu.memref_slice %arg8[%dma_wait3A_49] : memref<192xi32, #tpu.memory_space<vmem>> -> memref<128xi32, #tpu.memory_space<vmem>>
    %dma_wait3A_51 = arith.constant 0 : i32
    %dma_wait3A_52 = arith.constant 0 : i32
    %dma_wait3A_53 = tpu.memref_slice %arg3[%dma_wait3A_51, %dma_wait3A_52] : memref<100000x128xf32, #tpu.memory_space<hbm>> -> memref<100000x128xf32, #tpu.memory_space<hbm>>
    tpu.wait_indirect_dma semaphore(%arg12 : memref<!tpu.dma_semaphore, #tpu.memory_space<semaphore_mem>>) src(%dma_wait3A_53 : memref<100000x128xf32, #tpu.memory_space<hbm>>) dst(%dma_wait3A_48 : memref<128x128xf32, #tpu.memory_space<vmem>>)
    %dma_wait3A_54 = arith.constant 0 : i32
    %dma_wait3A_55 = arith.constant 0 : i32
    %dma_wait3A_56 = tpu.memref_slice %arg11[%dma_wait3A_54, %dma_wait3A_55] : memref<192x128xf32, #tpu.memory_space<vmem>> -> memref<128x128xf32, #tpu.memory_space<vmem>>
    %dma_wait3A_57 = arith.constant 0 : i32
    %dma_wait3A_58 = tpu.memref_slice %arg9[%dma_wait3A_57] : memref<192xi32, #tpu.memory_space<vmem>> -> memref<128xi32, #tpu.memory_space<vmem>>
    %dma_wait3A_59 = arith.constant 0 : i32
    %dma_wait3A_60 = arith.constant 0 : i32
    %dma_wait3A_61 = tpu.memref_slice %arg4[%dma_wait3A_59, %dma_wait3A_60] : memref<100000x128xf32, #tpu.memory_space<hbm>> -> memref<100000x128xf32, #tpu.memory_space<hbm>>
    tpu.wait_indirect_dma semaphore(%arg13 : memref<!tpu.dma_semaphore, #tpu.memory_space<semaphore_mem>>) src(%dma_wait3A_61 : memref<100000x128xf32, #tpu.memory_space<hbm>>) dst(%dma_wait3A_56 : memref<128x128xf32, #tpu.memory_space<vmem>>)
    %dma_wait3A_62 = arith.constant 128 : i32
    %dma_wait3A_63 = arith.constant 0 : i32
    %dma_wait3A_64 = tpu.memref_slice %arg10[%dma_wait3A_62, %dma_wait3A_63] : memref<192x128xf32, #tpu.memory_space<vmem>> -> memref<64x128xf32, #tpu.memory_space<vmem>>
    %dma_wait3A_65 = arith.constant 128 : i32
    %dma_wait3A_66 = tpu.memref_slice %arg8[%dma_wait3A_65] : memref<192xi32, #tpu.memory_space<vmem>> -> memref<64xi32, #tpu.memory_space<vmem>>
    %dma_wait3A_67 = arith.constant 0 : i32
    %dma_wait3A_68 = arith.constant 0 : i32
    %dma_wait3A_69 = tpu.memref_slice %arg3[%dma_wait3A_67, %dma_wait3A_68] : memref<100000x128xf32, #tpu.memory_space<hbm>> -> memref<100000x128xf32, #tpu.memory_space<hbm>>
    tpu.wait_indirect_dma semaphore(%arg12 : memref<!tpu.dma_semaphore, #tpu.memory_space<semaphore_mem>>) src(%dma_wait3A_69 : memref<100000x128xf32, #tpu.memory_space<hbm>>) dst(%dma_wait3A_64 : memref<64x128xf32, #tpu.memory_space<vmem>>)
    %dma_wait3A_70 = arith.constant 128 : i32
    %dma_wait3A_71 = arith.constant 0 : i32
    %dma_wait3A_72 = tpu.memref_slice %arg11[%dma_wait3A_70, %dma_wait3A_71] : memref<192x128xf32, #tpu.memory_space<vmem>> -> memref<64x128xf32, #tpu.memory_space<vmem>>
    %dma_wait3A_73 = arith.constant 128 : i32
    %dma_wait3A_74 = tpu.memref_slice %arg9[%dma_wait3A_73] : memref<192xi32, #tpu.memory_space<vmem>> -> memref<64xi32, #tpu.memory_space<vmem>>
    %dma_wait3A_75 = arith.constant 0 : i32
    %dma_wait3A_76 = arith.constant 0 : i32
    %dma_wait3A_77 = tpu.memref_slice %arg4[%dma_wait3A_75, %dma_wait3A_76] : memref<100000x128xf32, #tpu.memory_space<hbm>> -> memref<100000x128xf32, #tpu.memory_space<hbm>>
    tpu.wait_indirect_dma semaphore(%arg13 : memref<!tpu.dma_semaphore, #tpu.memory_space<semaphore_mem>>) src(%dma_wait3A_77 : memref<100000x128xf32, #tpu.memory_space<hbm>>) dst(%dma_wait3A_72 : memref<64x128xf32, #tpu.memory_space<vmem>>)
    %dma_start3A_78 = arith.constant 0 : i32
    %dma_start3A_79 = tpu.memref_slice %arg5[%multiple_of3A, %dma_start3A_78] : memref<6144x128xf32, #tpu.memory_space<hbm>> -> memref<192x128xf32, #tpu.memory_space<hbm>>
    %dma_start3A_80 = arith.constant 0 : i32
    %dma_start3A_81 = tpu.memref_slice %arg5[%multiple_of3A, %dma_start3A_80] : memref<6144x128xf32, #tpu.memory_space<hbm>> -> memref<192x128xf32, #tpu.memory_space<hbm>>
    tpu.enqueue_dma source(%arg10 : memref<192x128xf32, #tpu.memory_space<vmem>>) target(%dma_start3A_81 : memref<192x128xf32, #tpu.memory_space<hbm>>) target_semaphore(%arg14 : memref<!tpu.dma_semaphore, #tpu.memory_space<semaphore_mem>>)
    "tpu.region"() ({
      %run_scoped3A = tpu.sem_alloc : memref<!tpu.dma_semaphore, #tpu.memory_space<semaphore_mem>>
      %dma_start3A_86 = arith.constant 0 : i32
      %dma_start3A_87 = tpu.memref_slice %arg6[%multiple_of3A, %dma_start3A_86] : memref<6144x128xf32, #tpu.memory_space<hbm>> -> memref<192x128xf32, #tpu.memory_space<hbm>>
      %dma_start3A_88 = arith.constant 0 : i32
      %dma_start3A_89 = tpu.memref_slice %arg6[%multiple_of3A, %dma_start3A_88] : memref<6144x128xf32, #tpu.memory_space<hbm>> -> memref<192x128xf32, #tpu.memory_space<hbm>>
      tpu.enqueue_dma source(%arg11 : memref<192x128xf32, #tpu.memory_space<vmem>>) target(%dma_start3A_89 : memref<192x128xf32, #tpu.memory_space<hbm>>) target_semaphore(%run_scoped3A : memref<!tpu.dma_semaphore, #tpu.memory_space<semaphore_mem>>)
      %dma_wait3A_90 = arith.constant 0 : i32
      %dma_wait3A_91 = tpu.memref_slice %arg6[%multiple_of3A, %dma_wait3A_90] : memref<6144x128xf32, #tpu.memory_space<hbm>> -> memref<192x128xf32, #tpu.memory_space<hbm>>
      %dma_wait3A_92 = arith.constant 0 : i32
      %dma_wait3A_93 = tpu.memref_slice %arg6[%multiple_of3A, %dma_wait3A_92] : memref<6144x128xf32, #tpu.memory_space<hbm>> -> memref<192x128xf32, #tpu.memory_space<hbm>>
      tpu.wait_dma2 semaphore(%run_scoped3A : memref<!tpu.dma_semaphore, #tpu.memory_space<semaphore_mem>>) src(%arg11 : memref<192x128xf32, #tpu.memory_space<vmem>>) dst(%dma_wait3A_93 : memref<192x128xf32, #tpu.memory_space<hbm>>)
      tpu.yield
    }) : () -> ()
    %dma_wait3A_82 = arith.constant 0 : i32
    %dma_wait3A_83 = tpu.memref_slice %arg5[%multiple_of3A, %dma_wait3A_82] : memref<6144x128xf32, #tpu.memory_space<hbm>> -> memref<192x128xf32, #tpu.memory_space<hbm>>
    %dma_wait3A_84 = arith.constant 0 : i32
    %dma_wait3A_85 = tpu.memref_slice %arg5[%multiple_of3A, %dma_wait3A_84] : memref<6144x128xf32, #tpu.memory_space<hbm>> -> memref<192x128xf32, #tpu.memory_space<hbm>>
    tpu.wait_dma2 semaphore(%arg14 : memref<!tpu.dma_semaphore, #tpu.memory_space<semaphore_mem>>) src(%arg10 : memref<192x128xf32, #tpu.memory_space<vmem>>) dst(%dma_wait3A_85 : memref<192x128xf32, #tpu.memory_space<hbm>>)
    return
  }
}

#map = affine_map<(d0, d1) -> (0)>
#map1 = affine_map<(d0, d1) -> (0, 0)>
module attributes {stable_mosaic.version = 14 : i64} {
  func.func @k(%arg0: i32, %arg1: i32, %arg2: memref<16392xi32, #tpu.memory_space<hbm>>, %arg3: memref<100000x128xf32, #tpu.memory_space<hbm>>, %arg4: memref<100000x128xf32, #tpu.memory_space<hbm>>, %arg5: memref<4096x128xf32, #tpu.memory_space<hbm>>, %arg6: memref<4096x128xf32, #tpu.memory_space<hbm>>, %arg7: memref<136xi32, #tpu.memory_space<vmem>>, %arg8: memref<128xi32, #tpu.memory_space<vmem>>, %arg9: memref<128xi32, #tpu.memory_space<vmem>>, %arg10: memref<128x128xf32, #tpu.memory_space<vmem>>, %arg11: memref<128x128xf32, #tpu.memory_space<vmem>>, %arg12: memref<!tpu.dma_semaphore, #tpu.memory_space<semaphore_mem>>, %arg13: memref<!tpu.dma_semaphore, #tpu.memory_space<semaphore_mem>>, %arg14: memref<!tpu.dma_semaphore, #tpu.memory_space<semaphore_mem>>) attributes {dimension_semantics = [#tpu.dimension_semantics<core_parallel>, #tpu.dimension_semantics<subcore_parallel>], iteration_bounds = array<i64: 2, 16>, scalar_prefetch = 0 : i64, scratch_operands = 8 : i64, tpu.core_type = #tpu.core_type<sc_vector_subcore>, window_params = [{transform_indices = #map}, {transform_indices = #map1}, {transform_indices = #map1}, {transform_indices = #map1}, {transform_indices = #map1}]} {
    %mul3A = arith.constant 2 : i32
    %mul3A_0 = arith.muli %arg1, %mul3A : i32
    %add3A = arith.addi %mul3A_0, %arg0 : i32
    %mul3A_1 = arith.constant 128 : i32
    %mul3A_2 = arith.muli %add3A, %mul3A_1 : i32
    %multiple_of3A = tpu.assume_multiple %mul3A_2, 8 : i32
    %add3A_3 = arith.constant 6144 : i32
    %add3A_4 = arith.addi %add3A_3, %multiple_of3A : i32
    "tpu.region"() ({
      %run_scoped3A = tpu.sem_alloc : memref<!tpu.dma_semaphore, #tpu.memory_space<semaphore_mem>>
      %dma_start3A_54 = tpu.memref_slice %arg2[%add3A_4] : memref<16392xi32, #tpu.memory_space<hbm>> -> memref<136xi32, #tpu.memory_space<hbm>>
      %dma_start3A_55 = tpu.memref_slice %arg2[%add3A_4] : memref<16392xi32, #tpu.memory_space<hbm>> -> memref<136xi32, #tpu.memory_space<hbm>>
      tpu.enqueue_dma source(%dma_start3A_55 : memref<136xi32, #tpu.memory_space<hbm>>) target(%arg7 : memref<136xi32, #tpu.memory_space<vmem>>) target_semaphore(%run_scoped3A : memref<!tpu.dma_semaphore, #tpu.memory_space<semaphore_mem>>)
      %dma_wait3A_56 = tpu.memref_slice %arg2[%add3A_4] : memref<16392xi32, #tpu.memory_space<hbm>> -> memref<136xi32, #tpu.memory_space<hbm>>
      %dma_wait3A_57 = tpu.memref_slice %arg2[%add3A_4] : memref<16392xi32, #tpu.memory_space<hbm>> -> memref<136xi32, #tpu.memory_space<hbm>>
      tpu.wait_dma2 semaphore(%run_scoped3A : memref<!tpu.dma_semaphore, #tpu.memory_space<semaphore_mem>>) src(%dma_wait3A_57 : memref<136xi32, #tpu.memory_space<hbm>>) dst(%arg7 : memref<136xi32, #tpu.memory_space<vmem>>)
      tpu.yield
    }) : () -> ()
    %iota3A = tpu.iota {dimensions = array<i32: 0>} : vector<16xi32>
    %mul3A_5 = arith.constant 128 : i32
    %mul3A_6 = arith.muli %add3A, %mul3A_5 : i32
    %add3A_7 = arith.constant 6144 : i32
    %add3A_8 = arith.addi %add3A_7, %mul3A_6 : i32
    %sub3A = arith.constant 1 : i32
    %sub3A_9 = arith.subi %add3A_8, %sub3A : i32
    %add3A_10 = vector.broadcast %sub3A_9 : i32 to vector<16xi32>
    %add3A_11 = arith.addi %iota3A, %add3A_10 : vector<16xi32>
    %scan3A = arith.constant 0 : i32
    %scan3A_12 = arith.constant 8 : i32
    %scan3A_13 = arith.addi %scan3A, %scan3A_12 : i32
    %scan3A_14 = arith.constant 1 : i32
    scf.for %scan3A_54 = %scan3A to %scan3A_13 step %scan3A_14  : i32 {
      %mul3A_55 = arith.constant 16 : i32
      %mul3A_56 = arith.muli %scan3A_54, %mul3A_55 : i32
      %add3A_57 = arith.constant 7 : i32
      %add3A_58 = arith.addi %mul3A_56, %add3A_57 : i32
      %get3A = arith.index_cast %add3A_58 : i32 to index
      %get3A_59 = tpu.vector_load %arg7[%get3A] {strides = array<i32>} : memref<136xi32, #tpu.memory_space<vmem>>, vector<16xi32>,
      %get3A_60 = vector.shape_cast %get3A_59 : vector<16xi32> to vector<16xi32>
      %add3A_61 = arith.constant 8 : i32
      %add3A_62 = arith.addi %mul3A_56, %add3A_61 : i32
      %get3A_63 = arith.index_cast %add3A_62 : i32 to index
      %get3A_64 = tpu.vector_load %arg7[%get3A_63] {strides = array<i32>} : memref<136xi32, #tpu.memory_space<vmem>>, vector<16xi32>,
      %get3A_65 = vector.shape_cast %get3A_64 : vector<16xi32> to vector<16xi32>
      %add3A_66 = vector.broadcast %mul3A_56 : i32 to vector<16xi32>
      %add3A_67 = arith.addi %add3A_11, %add3A_66 : vector<16xi32>
      %and3A = arith.constant 4095 : i32
      %and3A_68 = vector.broadcast %and3A : i32 to vector<16xi32>
      %and3A_69 = arith.andi %add3A_67, %and3A_68 : vector<16xi32>
      %eq3A = arith.constant 4095 : i32
      %eq3A_70 = vector.broadcast %eq3A : i32 to vector<16xi32>
      %eq3A_71 = arith.cmpi eq, %and3A_69, %eq3A_70 : vector<16xi32>
      %broadcast_in_dim3A = arith.constant 0 : i32
      %broadcast_in_dim3A_72 = vector.broadcast %broadcast_in_dim3A : i32 to vector<16xi32>
      %select_n3A = arith.select %eq3A_71, %broadcast_in_dim3A_72, %get3A_60 : vector<16xi1>, vector<16xi32>
      %mul3A_73 = arith.constant 1024 : i32
      %mul3A_74 = vector.broadcast %mul3A_73 : i32 to vector<16xi32>
      %mul3A_75 = arith.muli %select_n3A, %mul3A_74 : vector<16xi32>
      %add3A_76 = arith.addi %mul3A_75, %get3A_65 : vector<16xi32>
      %convert_element_type3A = arith.sitofp %add3A_76 : vector<16xi32> to vector<16xf32>
      %mul3A_77 = arith.constant 9.99999974E-6 : f32
      %mul3A_78 = vector.broadcast %mul3A_77 : f32 to vector<16xf32>
      %mul3A_79 = arith.mulf %convert_element_type3A, %mul3A_78 : vector<16xf32>
      %convert_element_type3A_80 = arith.fptosi %mul3A_79 : vector<16xf32> to vector<16xi32>
      %mul3A_81 = arith.constant 100000 : i32
      %mul3A_82 = vector.broadcast %mul3A_81 : i32 to vector<16xi32>
      %mul3A_83 = arith.muli %convert_element_type3A_80, %mul3A_82 : vector<16xi32>
      %sub3A_84 = arith.subi %add3A_76, %mul3A_83 : vector<16xi32>
      %lt3A = arith.constant 0 : i32
      %lt3A_85 = vector.broadcast %lt3A : i32 to vector<16xi32>
      %lt3A_86 = arith.cmpi slt, %sub3A_84, %lt3A_85 : vector<16xi32>
      %add3A_87 = arith.constant 100000 : i32
      %add3A_88 = vector.broadcast %add3A_87 : i32 to vector<16xi32>
      %add3A_89 = arith.addi %sub3A_84, %add3A_88 : vector<16xi32>
      %select_n3A_90 = arith.select %lt3A_86, %add3A_89, %sub3A_84 : vector<16xi1>, vector<16xi32>
      %ge3A = arith.constant 100000 : i32
      %ge3A_91 = vector.broadcast %ge3A : i32 to vector<16xi32>
      %ge3A_92 = arith.cmpi sge, %select_n3A_90, %ge3A_91 : vector<16xi32>
      %sub3A_93 = arith.constant 100000 : i32
      %sub3A_94 = vector.broadcast %sub3A_93 : i32 to vector<16xi32>
      %sub3A_95 = arith.subi %select_n3A_90, %sub3A_94 : vector<16xi32>
      %select_n3A_96 = arith.select %ge3A_92, %sub3A_95, %select_n3A_90 : vector<16xi1>, vector<16xi32>
      %swap3A = arith.index_cast %mul3A_56 : i32 to index
      %swap3A_97 = tpu.vector_load %arg8[%swap3A] {strides = array<i32>} : memref<128xi32, #tpu.memory_space<vmem>>, vector<16xi32>,
      %swap3A_98 = vector.shape_cast %swap3A_97 : vector<16xi32> to vector<16xi32>
      %swap3A_99 = vector.shape_cast %select_n3A_96 : vector<16xi32> to vector<16xi32>
      tpu.vector_store %arg8[%swap3A], %swap3A_99 {strides = array<i32>} : memref<128xi32, #tpu.memory_space<vmem>>, vector<16xi32>,
      %mul3A_100 = arith.constant 31 : i32
      %mul3A_101 = vector.broadcast %mul3A_100 : i32 to vector<16xi32>
      %mul3A_102 = arith.muli %get3A_65, %mul3A_101 : vector<16xi32>
      %add3A_103 = arith.addi %select_n3A, %mul3A_102 : vector<16xi32>
      %convert_element_type3A_104 = arith.sitofp %add3A_103 : vector<16xi32> to vector<16xf32>
      %mul3A_105 = arith.constant 9.99999974E-6 : f32
      %mul3A_106 = vector.broadcast %mul3A_105 : f32 to vector<16xf32>
      %mul3A_107 = arith.mulf %convert_element_type3A_104, %mul3A_106 : vector<16xf32>
      %convert_element_type3A_108 = arith.fptosi %mul3A_107 : vector<16xf32> to vector<16xi32>
      %mul3A_109 = arith.constant 100000 : i32
      %mul3A_110 = vector.broadcast %mul3A_109 : i32 to vector<16xi32>
      %mul3A_111 = arith.muli %convert_element_type3A_108, %mul3A_110 : vector<16xi32>
      %sub3A_112 = arith.subi %add3A_103, %mul3A_111 : vector<16xi32>
      %lt3A_113 = arith.constant 0 : i32
      %lt3A_114 = vector.broadcast %lt3A_113 : i32 to vector<16xi32>
      %lt3A_115 = arith.cmpi slt, %sub3A_112, %lt3A_114 : vector<16xi32>
      %add3A_116 = arith.constant 100000 : i32
      %add3A_117 = vector.broadcast %add3A_116 : i32 to vector<16xi32>
      %add3A_118 = arith.addi %sub3A_112, %add3A_117 : vector<16xi32>
      %select_n3A_119 = arith.select %lt3A_115, %add3A_118, %sub3A_112 : vector<16xi1>, vector<16xi32>
      %ge3A_120 = arith.constant 100000 : i32
      %ge3A_121 = vector.broadcast %ge3A_120 : i32 to vector<16xi32>
      %ge3A_122 = arith.cmpi sge, %select_n3A_119, %ge3A_121 : vector<16xi32>
      %sub3A_123 = arith.constant 100000 : i32
      %sub3A_124 = vector.broadcast %sub3A_123 : i32 to vector<16xi32>
      %sub3A_125 = arith.subi %select_n3A_119, %sub3A_124 : vector<16xi32>
      %select_n3A_126 = arith.select %ge3A_122, %sub3A_125, %select_n3A_119 : vector<16xi1>, vector<16xi32>
      %swap3A_127 = arith.index_cast %mul3A_56 : i32 to index
      %swap3A_128 = tpu.vector_load %arg9[%swap3A_127] {strides = array<i32>} : memref<128xi32, #tpu.memory_space<vmem>>, vector<16xi32>,
      %swap3A_129 = vector.shape_cast %swap3A_128 : vector<16xi32> to vector<16xi32>
      %swap3A_130 = vector.shape_cast %select_n3A_126 : vector<16xi32> to vector<16xi32>
      tpu.vector_store %arg9[%swap3A_127], %swap3A_130 {strides = array<i32>} : memref<128xi32, #tpu.memory_space<vmem>>, vector<16xi32>,
    }
    %scan3A_15 = arith.constant 8 : i32
    %dma_start3A = arith.constant 0 : i32
    %dma_start3A_16 = arith.constant 0 : i32
    %dma_start3A_17 = tpu.memref_slice %arg10[%dma_start3A, %dma_start3A_16] : memref<128x128xf32, #tpu.memory_space<vmem>> -> memref<128x128xf32, #tpu.memory_space<vmem>>
    %dma_start3A_18 = arith.constant 0 : i32
    %dma_start3A_19 = tpu.memref_slice %arg8[%dma_start3A_18] : memref<128xi32, #tpu.memory_space<vmem>> -> memref<128xi32, #tpu.memory_space<vmem>>
    %dma_start3A_20 = arith.constant 0 : i32
    %dma_start3A_21 = arith.constant 0 : i32
    %dma_start3A_22 = tpu.memref_slice %arg3[%dma_start3A_20, %dma_start3A_21] : memref<100000x128xf32, #tpu.memory_space<hbm>> -> memref<100000x128xf32, #tpu.memory_space<hbm>>
    tpu.enqueue_indirect_dma source(%dma_start3A_22 : memref<100000x128xf32, #tpu.memory_space<hbm>>) target(%dma_start3A_17 : memref<128x128xf32, #tpu.memory_space<vmem>>) offsets(%dma_start3A_19 : memref<128xi32, #tpu.memory_space<vmem>>) semaphore(%arg12 : memref<!tpu.dma_semaphore, #tpu.memory_space<semaphore_mem>>)
    %dma_start3A_23 = arith.constant 0 : i32
    %dma_start3A_24 = arith.constant 0 : i32
    %dma_start3A_25 = tpu.memref_slice %arg11[%dma_start3A_23, %dma_start3A_24] : memref<128x128xf32, #tpu.memory_space<vmem>> -> memref<128x128xf32, #tpu.memory_space<vmem>>
    %dma_start3A_26 = arith.constant 0 : i32
    %dma_start3A_27 = tpu.memref_slice %arg9[%dma_start3A_26] : memref<128xi32, #tpu.memory_space<vmem>> -> memref<128xi32, #tpu.memory_space<vmem>>
    %dma_start3A_28 = arith.constant 0 : i32
    %dma_start3A_29 = arith.constant 0 : i32
    %dma_start3A_30 = tpu.memref_slice %arg4[%dma_start3A_28, %dma_start3A_29] : memref<100000x128xf32, #tpu.memory_space<hbm>> -> memref<100000x128xf32, #tpu.memory_space<hbm>>
    tpu.enqueue_indirect_dma source(%dma_start3A_30 : memref<100000x128xf32, #tpu.memory_space<hbm>>) target(%dma_start3A_25 : memref<128x128xf32, #tpu.memory_space<vmem>>) offsets(%dma_start3A_27 : memref<128xi32, #tpu.memory_space<vmem>>) semaphore(%arg13 : memref<!tpu.dma_semaphore, #tpu.memory_space<semaphore_mem>>)
    %dma_wait3A = arith.constant 0 : i32
    %dma_wait3A_31 = arith.constant 0 : i32
    %dma_wait3A_32 = tpu.memref_slice %arg10[%dma_wait3A, %dma_wait3A_31] : memref<128x128xf32, #tpu.memory_space<vmem>> -> memref<128x128xf32, #tpu.memory_space<vmem>>
    %dma_wait3A_33 = arith.constant 0 : i32
    %dma_wait3A_34 = tpu.memref_slice %arg8[%dma_wait3A_33] : memref<128xi32, #tpu.memory_space<vmem>> -> memref<128xi32, #tpu.memory_space<vmem>>
    %dma_wait3A_35 = arith.constant 0 : i32
    %dma_wait3A_36 = arith.constant 0 : i32
    %dma_wait3A_37 = tpu.memref_slice %arg3[%dma_wait3A_35, %dma_wait3A_36] : memref<100000x128xf32, #tpu.memory_space<hbm>> -> memref<100000x128xf32, #tpu.memory_space<hbm>>
    tpu.wait_indirect_dma semaphore(%arg12 : memref<!tpu.dma_semaphore, #tpu.memory_space<semaphore_mem>>) src(%dma_wait3A_37 : memref<100000x128xf32, #tpu.memory_space<hbm>>) dst(%dma_wait3A_32 : memref<128x128xf32, #tpu.memory_space<vmem>>)
    %dma_wait3A_38 = arith.constant 0 : i32
    %dma_wait3A_39 = arith.constant 0 : i32
    %dma_wait3A_40 = tpu.memref_slice %arg11[%dma_wait3A_38, %dma_wait3A_39] : memref<128x128xf32, #tpu.memory_space<vmem>> -> memref<128x128xf32, #tpu.memory_space<vmem>>
    %dma_wait3A_41 = arith.constant 0 : i32
    %dma_wait3A_42 = tpu.memref_slice %arg9[%dma_wait3A_41] : memref<128xi32, #tpu.memory_space<vmem>> -> memref<128xi32, #tpu.memory_space<vmem>>
    %dma_wait3A_43 = arith.constant 0 : i32
    %dma_wait3A_44 = arith.constant 0 : i32
    %dma_wait3A_45 = tpu.memref_slice %arg4[%dma_wait3A_43, %dma_wait3A_44] : memref<100000x128xf32, #tpu.memory_space<hbm>> -> memref<100000x128xf32, #tpu.memory_space<hbm>>
    tpu.wait_indirect_dma semaphore(%arg13 : memref<!tpu.dma_semaphore, #tpu.memory_space<semaphore_mem>>) src(%dma_wait3A_45 : memref<100000x128xf32, #tpu.memory_space<hbm>>) dst(%dma_wait3A_40 : memref<128x128xf32, #tpu.memory_space<vmem>>)
    %dma_start3A_46 = arith.constant 0 : i32
    %dma_start3A_47 = tpu.memref_slice %arg5[%multiple_of3A, %dma_start3A_46] : memref<4096x128xf32, #tpu.memory_space<hbm>> -> memref<128x128xf32, #tpu.memory_space<hbm>>
    %dma_start3A_48 = arith.constant 0 : i32
    %dma_start3A_49 = tpu.memref_slice %arg5[%multiple_of3A, %dma_start3A_48] : memref<4096x128xf32, #tpu.memory_space<hbm>> -> memref<128x128xf32, #tpu.memory_space<hbm>>
    tpu.enqueue_dma source(%arg10 : memref<128x128xf32, #tpu.memory_space<vmem>>) target(%dma_start3A_49 : memref<128x128xf32, #tpu.memory_space<hbm>>) target_semaphore(%arg14 : memref<!tpu.dma_semaphore, #tpu.memory_space<semaphore_mem>>)
    "tpu.region"() ({
      %run_scoped3A = tpu.sem_alloc : memref<!tpu.dma_semaphore, #tpu.memory_space<semaphore_mem>>
      %dma_start3A_54 = arith.constant 0 : i32
      %dma_start3A_55 = tpu.memref_slice %arg6[%multiple_of3A, %dma_start3A_54] : memref<4096x128xf32, #tpu.memory_space<hbm>> -> memref<128x128xf32, #tpu.memory_space<hbm>>
      %dma_start3A_56 = arith.constant 0 : i32
      %dma_start3A_57 = tpu.memref_slice %arg6[%multiple_of3A, %dma_start3A_56] : memref<4096x128xf32, #tpu.memory_space<hbm>> -> memref<128x128xf32, #tpu.memory_space<hbm>>
      tpu.enqueue_dma source(%arg11 : memref<128x128xf32, #tpu.memory_space<vmem>>) target(%dma_start3A_57 : memref<128x128xf32, #tpu.memory_space<hbm>>) target_semaphore(%run_scoped3A : memref<!tpu.dma_semaphore, #tpu.memory_space<semaphore_mem>>)
      %dma_wait3A_58 = arith.constant 0 : i32
      %dma_wait3A_59 = tpu.memref_slice %arg6[%multiple_of3A, %dma_wait3A_58] : memref<4096x128xf32, #tpu.memory_space<hbm>> -> memref<128x128xf32, #tpu.memory_space<hbm>>
      %dma_wait3A_60 = arith.constant 0 : i32
      %dma_wait3A_61 = tpu.memref_slice %arg6[%multiple_of3A, %dma_wait3A_60] : memref<4096x128xf32, #tpu.memory_space<hbm>> -> memref<128x128xf32, #tpu.memory_space<hbm>>
      tpu.wait_dma2 semaphore(%run_scoped3A : memref<!tpu.dma_semaphore, #tpu.memory_space<semaphore_mem>>) src(%arg11 : memref<128x128xf32, #tpu.memory_space<vmem>>) dst(%dma_wait3A_61 : memref<128x128xf32, #tpu.memory_space<hbm>>)
      tpu.yield
    }) : () -> ()
    %dma_wait3A_50 = arith.constant 0 : i32
    %dma_wait3A_51 = tpu.memref_slice %arg5[%multiple_of3A, %dma_wait3A_50] : memref<4096x128xf32, #tpu.memory_space<hbm>> -> memref<128x128xf32, #tpu.memory_space<hbm>>
    %dma_wait3A_52 = arith.constant 0 : i32
    %dma_wait3A_53 = tpu.memref_slice %arg5[%multiple_of3A, %dma_wait3A_52] : memref<4096x128xf32, #tpu.memory_space<hbm>> -> memref<128x128xf32, #tpu.memory_space<hbm>>
    tpu.wait_dma2 semaphore(%arg14 : memref<!tpu.dma_semaphore, #tpu.memory_space<semaphore_mem>>) src(%arg10 : memref<128x128xf32, #tpu.memory_space<vmem>>) dst(%dma_wait3A_53 : memref<128x128xf32, #tpu.memory_space<hbm>>)
    return
  }
}

#map = affine_map<(d0, d1) -> (0)>
#map1 = affine_map<(d0, d1) -> (0, 0)>
module attributes {stable_mosaic.version = 14 : i64} {
  func.func @k(%arg0: i32, %arg1: i32, %arg2: memref<16392xi32, #tpu.memory_space<hbm>>, %arg3: memref<100000x128xf32, #tpu.memory_space<hbm>>, %arg4: memref<100000x128xf32, #tpu.memory_space<hbm>>, %arg5: memref<2048x128xf32, #tpu.memory_space<hbm>>, %arg6: memref<2048x128xf32, #tpu.memory_space<hbm>>, %arg7: memref<72xi32, #tpu.memory_space<vmem>>, %arg8: memref<64xi32, #tpu.memory_space<vmem>>, %arg9: memref<64xi32, #tpu.memory_space<vmem>>, %arg10: memref<64x128xf32, #tpu.memory_space<vmem>>, %arg11: memref<64x128xf32, #tpu.memory_space<vmem>>, %arg12: memref<!tpu.dma_semaphore, #tpu.memory_space<semaphore_mem>>, %arg13: memref<!tpu.dma_semaphore, #tpu.memory_space<semaphore_mem>>, %arg14: memref<!tpu.dma_semaphore, #tpu.memory_space<semaphore_mem>>) attributes {dimension_semantics = [#tpu.dimension_semantics<core_parallel>, #tpu.dimension_semantics<subcore_parallel>], iteration_bounds = array<i64: 2, 16>, scalar_prefetch = 0 : i64, scratch_operands = 8 : i64, tpu.core_type = #tpu.core_type<sc_vector_subcore>, window_params = [{transform_indices = #map}, {transform_indices = #map1}, {transform_indices = #map1}, {transform_indices = #map1}, {transform_indices = #map1}]} {
    %mul3A = arith.constant 2 : i32
    %mul3A_0 = arith.muli %arg1, %mul3A : i32
    %add3A = arith.addi %mul3A_0, %arg0 : i32
    %mul3A_1 = arith.constant 64 : i32
    %mul3A_2 = arith.muli %add3A, %mul3A_1 : i32
    %multiple_of3A = tpu.assume_multiple %mul3A_2, 8 : i32
    %add3A_3 = arith.constant 0 : i32
    %add3A_4 = arith.addi %add3A_3, %multiple_of3A : i32
    "tpu.region"() ({
      %run_scoped3A = tpu.sem_alloc : memref<!tpu.dma_semaphore, #tpu.memory_space<semaphore_mem>>
      %dma_start3A_54 = tpu.memref_slice %arg2[%add3A_4] : memref<16392xi32, #tpu.memory_space<hbm>> -> memref<72xi32, #tpu.memory_space<hbm>>
      %dma_start3A_55 = tpu.memref_slice %arg2[%add3A_4] : memref<16392xi32, #tpu.memory_space<hbm>> -> memref<72xi32, #tpu.memory_space<hbm>>
      tpu.enqueue_dma source(%dma_start3A_55 : memref<72xi32, #tpu.memory_space<hbm>>) target(%arg7 : memref<72xi32, #tpu.memory_space<vmem>>) target_semaphore(%run_scoped3A : memref<!tpu.dma_semaphore, #tpu.memory_space<semaphore_mem>>)
      %dma_wait3A_56 = tpu.memref_slice %arg2[%add3A_4] : memref<16392xi32, #tpu.memory_space<hbm>> -> memref<72xi32, #tpu.memory_space<hbm>>
      %dma_wait3A_57 = tpu.memref_slice %arg2[%add3A_4] : memref<16392xi32, #tpu.memory_space<hbm>> -> memref<72xi32, #tpu.memory_space<hbm>>
      tpu.wait_dma2 semaphore(%run_scoped3A : memref<!tpu.dma_semaphore, #tpu.memory_space<semaphore_mem>>) src(%dma_wait3A_57 : memref<72xi32, #tpu.memory_space<hbm>>) dst(%arg7 : memref<72xi32, #tpu.memory_space<vmem>>)
      tpu.yield
    }) : () -> ()
    %iota3A = tpu.iota {dimensions = array<i32: 0>} : vector<16xi32>
    %mul3A_5 = arith.constant 64 : i32
    %mul3A_6 = arith.muli %add3A, %mul3A_5 : i32
    %add3A_7 = arith.constant 0 : i32
    %add3A_8 = arith.addi %add3A_7, %mul3A_6 : i32
    %sub3A = arith.constant 1 : i32
    %sub3A_9 = arith.subi %add3A_8, %sub3A : i32
    %add3A_10 = vector.broadcast %sub3A_9 : i32 to vector<16xi32>
    %add3A_11 = arith.addi %iota3A, %add3A_10 : vector<16xi32>
    %scan3A = arith.constant 0 : i32
    %scan3A_12 = arith.constant 4 : i32
    %scan3A_13 = arith.addi %scan3A, %scan3A_12 : i32
    %scan3A_14 = arith.constant 1 : i32
    scf.for %scan3A_54 = %scan3A to %scan3A_13 step %scan3A_14  : i32 {
      %mul3A_55 = arith.constant 16 : i32
      %mul3A_56 = arith.muli %scan3A_54, %mul3A_55 : i32
      %add3A_57 = arith.constant 7 : i32
      %add3A_58 = arith.addi %mul3A_56, %add3A_57 : i32
      %get3A = arith.index_cast %add3A_58 : i32 to index
      %get3A_59 = tpu.vector_load %arg7[%get3A] {strides = array<i32>} : memref<72xi32, #tpu.memory_space<vmem>>, vector<16xi32>,
      %get3A_60 = vector.shape_cast %get3A_59 : vector<16xi32> to vector<16xi32>
      %add3A_61 = arith.constant 8 : i32
      %add3A_62 = arith.addi %mul3A_56, %add3A_61 : i32
      %get3A_63 = arith.index_cast %add3A_62 : i32 to index
      %get3A_64 = tpu.vector_load %arg7[%get3A_63] {strides = array<i32>} : memref<72xi32, #tpu.memory_space<vmem>>, vector<16xi32>,
      %get3A_65 = vector.shape_cast %get3A_64 : vector<16xi32> to vector<16xi32>
      %add3A_66 = vector.broadcast %mul3A_56 : i32 to vector<16xi32>
      %add3A_67 = arith.addi %add3A_11, %add3A_66 : vector<16xi32>
      %and3A = arith.constant 4095 : i32
      %and3A_68 = vector.broadcast %and3A : i32 to vector<16xi32>
      %and3A_69 = arith.andi %add3A_67, %and3A_68 : vector<16xi32>
      %eq3A = arith.constant 4095 : i32
      %eq3A_70 = vector.broadcast %eq3A : i32 to vector<16xi32>
      %eq3A_71 = arith.cmpi eq, %and3A_69, %eq3A_70 : vector<16xi32>
      %broadcast_in_dim3A = arith.constant 0 : i32
      %broadcast_in_dim3A_72 = vector.broadcast %broadcast_in_dim3A : i32 to vector<16xi32>
      %select_n3A = arith.select %eq3A_71, %broadcast_in_dim3A_72, %get3A_60 : vector<16xi1>, vector<16xi32>
      %mul3A_73 = arith.constant 1024 : i32
      %mul3A_74 = vector.broadcast %mul3A_73 : i32 to vector<16xi32>
      %mul3A_75 = arith.muli %select_n3A, %mul3A_74 : vector<16xi32>
      %add3A_76 = arith.addi %mul3A_75, %get3A_65 : vector<16xi32>
      %convert_element_type3A = arith.sitofp %add3A_76 : vector<16xi32> to vector<16xf32>
      %mul3A_77 = arith.constant 9.99999974E-6 : f32
      %mul3A_78 = vector.broadcast %mul3A_77 : f32 to vector<16xf32>
      %mul3A_79 = arith.mulf %convert_element_type3A, %mul3A_78 : vector<16xf32>
      %convert_element_type3A_80 = arith.fptosi %mul3A_79 : vector<16xf32> to vector<16xi32>
      %mul3A_81 = arith.constant 100000 : i32
      %mul3A_82 = vector.broadcast %mul3A_81 : i32 to vector<16xi32>
      %mul3A_83 = arith.muli %convert_element_type3A_80, %mul3A_82 : vector<16xi32>
      %sub3A_84 = arith.subi %add3A_76, %mul3A_83 : vector<16xi32>
      %lt3A = arith.constant 0 : i32
      %lt3A_85 = vector.broadcast %lt3A : i32 to vector<16xi32>
      %lt3A_86 = arith.cmpi slt, %sub3A_84, %lt3A_85 : vector<16xi32>
      %add3A_87 = arith.constant 100000 : i32
      %add3A_88 = vector.broadcast %add3A_87 : i32 to vector<16xi32>
      %add3A_89 = arith.addi %sub3A_84, %add3A_88 : vector<16xi32>
      %select_n3A_90 = arith.select %lt3A_86, %add3A_89, %sub3A_84 : vector<16xi1>, vector<16xi32>
      %ge3A = arith.constant 100000 : i32
      %ge3A_91 = vector.broadcast %ge3A : i32 to vector<16xi32>
      %ge3A_92 = arith.cmpi sge, %select_n3A_90, %ge3A_91 : vector<16xi32>
      %sub3A_93 = arith.constant 100000 : i32
      %sub3A_94 = vector.broadcast %sub3A_93 : i32 to vector<16xi32>
      %sub3A_95 = arith.subi %select_n3A_90, %sub3A_94 : vector<16xi32>
      %select_n3A_96 = arith.select %ge3A_92, %sub3A_95, %select_n3A_90 : vector<16xi1>, vector<16xi32>
      %swap3A = arith.index_cast %mul3A_56 : i32 to index
      %swap3A_97 = tpu.vector_load %arg8[%swap3A] {strides = array<i32>} : memref<64xi32, #tpu.memory_space<vmem>>, vector<16xi32>,
      %swap3A_98 = vector.shape_cast %swap3A_97 : vector<16xi32> to vector<16xi32>
      %swap3A_99 = vector.shape_cast %select_n3A_96 : vector<16xi32> to vector<16xi32>
      tpu.vector_store %arg8[%swap3A], %swap3A_99 {strides = array<i32>} : memref<64xi32, #tpu.memory_space<vmem>>, vector<16xi32>,
      %mul3A_100 = arith.constant 31 : i32
      %mul3A_101 = vector.broadcast %mul3A_100 : i32 to vector<16xi32>
      %mul3A_102 = arith.muli %get3A_65, %mul3A_101 : vector<16xi32>
      %add3A_103 = arith.addi %select_n3A, %mul3A_102 : vector<16xi32>
      %convert_element_type3A_104 = arith.sitofp %add3A_103 : vector<16xi32> to vector<16xf32>
      %mul3A_105 = arith.constant 9.99999974E-6 : f32
      %mul3A_106 = vector.broadcast %mul3A_105 : f32 to vector<16xf32>
      %mul3A_107 = arith.mulf %convert_element_type3A_104, %mul3A_106 : vector<16xf32>
      %convert_element_type3A_108 = arith.fptosi %mul3A_107 : vector<16xf32> to vector<16xi32>
      %mul3A_109 = arith.constant 100000 : i32
      %mul3A_110 = vector.broadcast %mul3A_109 : i32 to vector<16xi32>
      %mul3A_111 = arith.muli %convert_element_type3A_108, %mul3A_110 : vector<16xi32>
      %sub3A_112 = arith.subi %add3A_103, %mul3A_111 : vector<16xi32>
      %lt3A_113 = arith.constant 0 : i32
      %lt3A_114 = vector.broadcast %lt3A_113 : i32 to vector<16xi32>
      %lt3A_115 = arith.cmpi slt, %sub3A_112, %lt3A_114 : vector<16xi32>
      %add3A_116 = arith.constant 100000 : i32
      %add3A_117 = vector.broadcast %add3A_116 : i32 to vector<16xi32>
      %add3A_118 = arith.addi %sub3A_112, %add3A_117 : vector<16xi32>
      %select_n3A_119 = arith.select %lt3A_115, %add3A_118, %sub3A_112 : vector<16xi1>, vector<16xi32>
      %ge3A_120 = arith.constant 100000 : i32
      %ge3A_121 = vector.broadcast %ge3A_120 : i32 to vector<16xi32>
      %ge3A_122 = arith.cmpi sge, %select_n3A_119, %ge3A_121 : vector<16xi32>
      %sub3A_123 = arith.constant 100000 : i32
      %sub3A_124 = vector.broadcast %sub3A_123 : i32 to vector<16xi32>
      %sub3A_125 = arith.subi %select_n3A_119, %sub3A_124 : vector<16xi32>
      %select_n3A_126 = arith.select %ge3A_122, %sub3A_125, %select_n3A_119 : vector<16xi1>, vector<16xi32>
      %swap3A_127 = arith.index_cast %mul3A_56 : i32 to index
      %swap3A_128 = tpu.vector_load %arg9[%swap3A_127] {strides = array<i32>} : memref<64xi32, #tpu.memory_space<vmem>>, vector<16xi32>,
      %swap3A_129 = vector.shape_cast %swap3A_128 : vector<16xi32> to vector<16xi32>
      %swap3A_130 = vector.shape_cast %select_n3A_126 : vector<16xi32> to vector<16xi32>
      tpu.vector_store %arg9[%swap3A_127], %swap3A_130 {strides = array<i32>} : memref<64xi32, #tpu.memory_space<vmem>>, vector<16xi32>,
    }
    %scan3A_15 = arith.constant 4 : i32
    %dma_start3A = arith.constant 0 : i32
    %dma_start3A_16 = arith.constant 0 : i32
    %dma_start3A_17 = tpu.memref_slice %arg10[%dma_start3A, %dma_start3A_16] : memref<64x128xf32, #tpu.memory_space<vmem>> -> memref<64x128xf32, #tpu.memory_space<vmem>>
    %dma_start3A_18 = arith.constant 0 : i32
    %dma_start3A_19 = tpu.memref_slice %arg8[%dma_start3A_18] : memref<64xi32, #tpu.memory_space<vmem>> -> memref<64xi32, #tpu.memory_space<vmem>>
    %dma_start3A_20 = arith.constant 0 : i32
    %dma_start3A_21 = arith.constant 0 : i32
    %dma_start3A_22 = tpu.memref_slice %arg3[%dma_start3A_20, %dma_start3A_21] : memref<100000x128xf32, #tpu.memory_space<hbm>> -> memref<100000x128xf32, #tpu.memory_space<hbm>>
    tpu.enqueue_indirect_dma source(%dma_start3A_22 : memref<100000x128xf32, #tpu.memory_space<hbm>>) target(%dma_start3A_17 : memref<64x128xf32, #tpu.memory_space<vmem>>) offsets(%dma_start3A_19 : memref<64xi32, #tpu.memory_space<vmem>>) semaphore(%arg12 : memref<!tpu.dma_semaphore, #tpu.memory_space<semaphore_mem>>)
    %dma_start3A_23 = arith.constant 0 : i32
    %dma_start3A_24 = arith.constant 0 : i32
    %dma_start3A_25 = tpu.memref_slice %arg11[%dma_start3A_23, %dma_start3A_24] : memref<64x128xf32, #tpu.memory_space<vmem>> -> memref<64x128xf32, #tpu.memory_space<vmem>>
    %dma_start3A_26 = arith.constant 0 : i32
    %dma_start3A_27 = tpu.memref_slice %arg9[%dma_start3A_26] : memref<64xi32, #tpu.memory_space<vmem>> -> memref<64xi32, #tpu.memory_space<vmem>>
    %dma_start3A_28 = arith.constant 0 : i32
    %dma_start3A_29 = arith.constant 0 : i32
    %dma_start3A_30 = tpu.memref_slice %arg4[%dma_start3A_28, %dma_start3A_29] : memref<100000x128xf32, #tpu.memory_space<hbm>> -> memref<100000x128xf32, #tpu.memory_space<hbm>>
    tpu.enqueue_indirect_dma source(%dma_start3A_30 : memref<100000x128xf32, #tpu.memory_space<hbm>>) target(%dma_start3A_25 : memref<64x128xf32, #tpu.memory_space<vmem>>) offsets(%dma_start3A_27 : memref<64xi32, #tpu.memory_space<vmem>>) semaphore(%arg13 : memref<!tpu.dma_semaphore, #tpu.memory_space<semaphore_mem>>)
    %dma_wait3A = arith.constant 0 : i32
    %dma_wait3A_31 = arith.constant 0 : i32
    %dma_wait3A_32 = tpu.memref_slice %arg10[%dma_wait3A, %dma_wait3A_31] : memref<64x128xf32, #tpu.memory_space<vmem>> -> memref<64x128xf32, #tpu.memory_space<vmem>>
    %dma_wait3A_33 = arith.constant 0 : i32
    %dma_wait3A_34 = tpu.memref_slice %arg8[%dma_wait3A_33] : memref<64xi32, #tpu.memory_space<vmem>> -> memref<64xi32, #tpu.memory_space<vmem>>
    %dma_wait3A_35 = arith.constant 0 : i32
    %dma_wait3A_36 = arith.constant 0 : i32
    %dma_wait3A_37 = tpu.memref_slice %arg3[%dma_wait3A_35, %dma_wait3A_36] : memref<100000x128xf32, #tpu.memory_space<hbm>> -> memref<100000x128xf32, #tpu.memory_space<hbm>>
    tpu.wait_indirect_dma semaphore(%arg12 : memref<!tpu.dma_semaphore, #tpu.memory_space<semaphore_mem>>) src(%dma_wait3A_37 : memref<100000x128xf32, #tpu.memory_space<hbm>>) dst(%dma_wait3A_32 : memref<64x128xf32, #tpu.memory_space<vmem>>)
    %dma_wait3A_38 = arith.constant 0 : i32
    %dma_wait3A_39 = arith.constant 0 : i32
    %dma_wait3A_40 = tpu.memref_slice %arg11[%dma_wait3A_38, %dma_wait3A_39] : memref<64x128xf32, #tpu.memory_space<vmem>> -> memref<64x128xf32, #tpu.memory_space<vmem>>
    %dma_wait3A_41 = arith.constant 0 : i32
    %dma_wait3A_42 = tpu.memref_slice %arg9[%dma_wait3A_41] : memref<64xi32, #tpu.memory_space<vmem>> -> memref<64xi32, #tpu.memory_space<vmem>>
    %dma_wait3A_43 = arith.constant 0 : i32
    %dma_wait3A_44 = arith.constant 0 : i32
    %dma_wait3A_45 = tpu.memref_slice %arg4[%dma_wait3A_43, %dma_wait3A_44] : memref<100000x128xf32, #tpu.memory_space<hbm>> -> memref<100000x128xf32, #tpu.memory_space<hbm>>
    tpu.wait_indirect_dma semaphore(%arg13 : memref<!tpu.dma_semaphore, #tpu.memory_space<semaphore_mem>>) src(%dma_wait3A_45 : memref<100000x128xf32, #tpu.memory_space<hbm>>) dst(%dma_wait3A_40 : memref<64x128xf32, #tpu.memory_space<vmem>>)
    %dma_start3A_46 = arith.constant 0 : i32
    %dma_start3A_47 = tpu.memref_slice %arg5[%multiple_of3A, %dma_start3A_46] : memref<2048x128xf32, #tpu.memory_space<hbm>> -> memref<64x128xf32, #tpu.memory_space<hbm>>
    %dma_start3A_48 = arith.constant 0 : i32
    %dma_start3A_49 = tpu.memref_slice %arg5[%multiple_of3A, %dma_start3A_48] : memref<2048x128xf32, #tpu.memory_space<hbm>> -> memref<64x128xf32, #tpu.memory_space<hbm>>
    tpu.enqueue_dma source(%arg10 : memref<64x128xf32, #tpu.memory_space<vmem>>) target(%dma_start3A_49 : memref<64x128xf32, #tpu.memory_space<hbm>>) target_semaphore(%arg14 : memref<!tpu.dma_semaphore, #tpu.memory_space<semaphore_mem>>)
    "tpu.region"() ({
      %run_scoped3A = tpu.sem_alloc : memref<!tpu.dma_semaphore, #tpu.memory_space<semaphore_mem>>
      %dma_start3A_54 = arith.constant 0 : i32
      %dma_start3A_55 = tpu.memref_slice %arg6[%multiple_of3A, %dma_start3A_54] : memref<2048x128xf32, #tpu.memory_space<hbm>> -> memref<64x128xf32, #tpu.memory_space<hbm>>
      %dma_start3A_56 = arith.constant 0 : i32
      %dma_start3A_57 = tpu.memref_slice %arg6[%multiple_of3A, %dma_start3A_56] : memref<2048x128xf32, #tpu.memory_space<hbm>> -> memref<64x128xf32, #tpu.memory_space<hbm>>
      tpu.enqueue_dma source(%arg11 : memref<64x128xf32, #tpu.memory_space<vmem>>) target(%dma_start3A_57 : memref<64x128xf32, #tpu.memory_space<hbm>>) target_semaphore(%run_scoped3A : memref<!tpu.dma_semaphore, #tpu.memory_space<semaphore_mem>>)
      %dma_wait3A_58 = arith.constant 0 : i32
      %dma_wait3A_59 = tpu.memref_slice %arg6[%multiple_of3A, %dma_wait3A_58] : memref<2048x128xf32, #tpu.memory_space<hbm>> -> memref<64x128xf32, #tpu.memory_space<hbm>>
      %dma_wait3A_60 = arith.constant 0 : i32
      %dma_wait3A_61 = tpu.memref_slice %arg6[%multiple_of3A, %dma_wait3A_60] : memref<2048x128xf32, #tpu.memory_space<hbm>> -> memref<64x128xf32, #tpu.memory_space<hbm>>
      tpu.wait_dma2 semaphore(%run_scoped3A : memref<!tpu.dma_semaphore, #tpu.memory_space<semaphore_mem>>) src(%arg11 : memref<64x128xf32, #tpu.memory_space<vmem>>) dst(%dma_wait3A_61 : memref<64x128xf32, #tpu.memory_space<hbm>>)
      tpu.yield
    }) : () -> ()
    %dma_wait3A_50 = arith.constant 0 : i32
    %dma_wait3A_51 = tpu.memref_slice %arg5[%multiple_of3A, %dma_wait3A_50] : memref<2048x128xf32, #tpu.memory_space<hbm>> -> memref<64x128xf32, #tpu.memory_space<hbm>>
    %dma_wait3A_52 = arith.constant 0 : i32
    %dma_wait3A_53 = tpu.memref_slice %arg5[%multiple_of3A, %dma_wait3A_52] : memref<2048x128xf32, #tpu.memory_space<hbm>> -> memref<64x128xf32, #tpu.memory_space<hbm>>
    tpu.wait_dma2 semaphore(%arg14 : memref<!tpu.dma_semaphore, #tpu.memory_space<semaphore_mem>>) src(%arg10 : memref<64x128xf32, #tpu.memory_space<vmem>>) dst(%dma_wait3A_53 : memref<64x128xf32, #tpu.memory_space<hbm>>)
    return
  }
}

module attributes {stable_mosaic.version = 14 : i64} {
  func.func @body(%arg0: i32, %arg1: memref<1024x128xf32, #tpu.memory_space<vmem>>, %arg2: memref<1024x128xf32, #tpu.memory_space<vmem>>, %arg3: memref<2048x256xbf16, #tpu.memory_space<vmem>>, %arg4: memref<1024x2048xf32, #tpu.memory_space<vmem>>) attributes {dimension_semantics = [#tpu.dimension_semantics<arbitrary>], iteration_bounds = array<i64: 2>, scalar_prefetch = 0 : i64, scratch_operands = 0 : i64, tpu.core_type = #tpu.core_type<tc>, window_params = [{transform_indices = @transform_0, window_bounds = array<i64: 1024, 128>}, {transform_indices = @transform_1, window_bounds = array<i64: 1024, 128>}, {pipeline_mode = #tpu.pipeline_mode<synchronous>, transform_indices = @transform_2, window_bounds = array<i64: 2048, 256>}, {transform_indices = @transform_3, window_bounds = array<i64: 1024, 2048>}]} {
    %get3A = arith.constant 0 : index
    %get3A_0 = arith.constant 0 : index
    %get3A_1 = vector.load %arg1[%get3A, %get3A_0] : memref<1024x128xf32, #tpu.memory_space<vmem>>, vector<1024x128xf32>
    %get3A_2 = arith.constant 0 : index
    %get3A_3 = arith.constant 0 : index
    %get3A_4 = vector.load %arg2[%get3A_2, %get3A_3] : memref<1024x128xf32, #tpu.memory_space<vmem>>, vector<1024x128xf32>
    %concatenate3A = tpu.concatenate %get3A_1, %get3A_4 in 1 : vector<1024x128xf32>, vector<1024x128xf32> -> vector<1024x256xf32>
    %convert_element_type3A = arith.truncf %concatenate3A : vector<1024x256xf32> to vector<1024x256xbf16>
    %get3A_5 = arith.constant 0 : index
    %get3A_6 = arith.constant 0 : index
    %get3A_7 = vector.load %arg3[%get3A_5, %get3A_6] : memref<2048x256xbf16, #tpu.memory_space<vmem>>, vector<2048x256xbf16>
    %dot_general3A = arith.constant dense<0.000000e+00> : vector<1024x2048xf32>
    %dot_general3A_8 = tpu.matmul %convert_element_type3A, %get3A_7, %dot_general3A {dimension_numbers = #tpu.dot_dimension_numbers<[1], [1], [0], [0], [0, 0, 1, 0], [], []>, transpose_lhs_hint = false} : vector<1024x256xbf16>, vector<2048x256xbf16>, vector<1024x2048xf32> -> vector<1024x2048xf32>
    %swap3A = arith.constant 0 : index
    %swap3A_9 = arith.constant 0 : index
    %swap3A_10 = vector.load %arg4[%swap3A, %swap3A_9] : memref<1024x2048xf32, #tpu.memory_space<vmem>>, vector<1024x2048xf32>
    tpu.vector_store %arg4[%swap3A, %swap3A_9], %dot_general3A_8 {strides = array<i32>} : memref<1024x2048xf32, #tpu.memory_space<vmem>>, vector<1024x2048xf32>,
    return
  }
  func.func @transform_0(%arg0: i32) -> (i32, i32) {
    %c0_i32 = arith.constant 0 : i32
    %c0_i32_0 = arith.constant 0 : i32
    return %arg0, %c0_i32 : i32, i32
  }
  func.func @transform_1(%arg0: i32) -> (i32, i32) {
    %c0_i32 = arith.constant 0 : i32
    %c0_i32_0 = arith.constant 0 : i32
    return %arg0, %c0_i32 : i32, i32
  }
  func.func @transform_2(%arg0: i32) -> (i32, i32) {
    %c0_i32 = arith.constant 0 : i32
    %c0_i32_0 = arith.constant 0 : i32
    %c0_i32_1 = arith.constant 0 : i32
    return %c0_i32, %c0_i32_0 : i32, i32
  }
  func.func @transform_3(%arg0: i32) -> (i32, i32) {
    %add3A = arith.constant 0 : i32
    %add3A_0 = arith.addi %arg0, %add3A : i32
    %c0_i32 = arith.constant 0 : i32
    %c0_i32_1 = arith.constant 0 : i32
    return %add3A_0, %c0_i32 : i32, i32
  }
}

module attributes {stable_mosaic.version = 14 : i64} {
  func.func @body(%arg0: i32, %arg1: memref<1024x128xf32, #tpu.memory_space<vmem>>, %arg2: memref<1024x128xf32, #tpu.memory_space<vmem>>, %arg3: memref<2048x256xbf16, #tpu.memory_space<vmem>>, %arg4: memref<8x128xf32, #tpu.memory_space<vmem>>, %arg5: memref<1024x2048xf32, #tpu.memory_space<vmem>>) attributes {dimension_semantics = [#tpu.dimension_semantics<arbitrary>], iteration_bounds = array<i64: 4>, scalar_prefetch = 0 : i64, scratch_operands = 0 : i64, tpu.core_type = #tpu.core_type<tc>, window_params = [{transform_indices = @transform_0, window_bounds = array<i64: 1024, 128>}, {transform_indices = @transform_1, window_bounds = array<i64: 1024, 128>}, {pipeline_mode = #tpu.pipeline_mode<synchronous>, transform_indices = @transform_2, window_bounds = array<i64: 2048, 256>}, {transform_indices = @transform_3, window_bounds = array<i64: 8, 128>}, {transform_indices = @transform_4, window_bounds = array<i64: 1024, 2048>}]} {
    %get3A = arith.constant 0 : index
    %get3A_0 = arith.constant 0 : index
    %get3A_1 = vector.load %arg1[%get3A, %get3A_0] : memref<1024x128xf32, #tpu.memory_space<vmem>>, vector<1024x128xf32>
    %get3A_2 = arith.constant 0 : index
    %get3A_3 = arith.constant 0 : index
    %get3A_4 = vector.load %arg2[%get3A_2, %get3A_3] : memref<1024x128xf32, #tpu.memory_space<vmem>>, vector<1024x128xf32>
    %concatenate3A = tpu.concatenate %get3A_1, %get3A_4 in 1 : vector<1024x128xf32>, vector<1024x128xf32> -> vector<1024x256xf32>
    %convert_element_type3A = arith.truncf %concatenate3A : vector<1024x256xf32> to vector<1024x256xbf16>
    %get3A_5 = arith.constant 0 : index
    %get3A_6 = arith.constant 0 : index
    %get3A_7 = vector.load %arg3[%get3A_5, %get3A_6] : memref<2048x256xbf16, #tpu.memory_space<vmem>>, vector<2048x256xbf16>
    %dot_general3A = arith.constant dense<0.000000e+00> : vector<1024x2048xf32>
    %dot_general3A_8 = tpu.matmul %convert_element_type3A, %get3A_7, %dot_general3A {dimension_numbers = #tpu.dot_dimension_numbers<[1], [1], [0], [0], [0, 0, 1, 0], [], []>, transpose_lhs_hint = false} : vector<1024x256xbf16>, vector<2048x256xbf16>, vector<1024x2048xf32> -> vector<1024x2048xf32>
    %swap3A = arith.constant 0 : index
    %swap3A_9 = arith.constant 0 : index
    %swap3A_10 = vector.load %arg5[%swap3A, %swap3A_9] : memref<1024x2048xf32, #tpu.memory_space<vmem>>, vector<1024x2048xf32>
    tpu.vector_store %arg5[%swap3A, %swap3A_9], %dot_general3A_8 {strides = array<i32>} : memref<1024x2048xf32, #tpu.memory_space<vmem>>, vector<1024x2048xf32>,
    return
  }
  func.func @transform_0(%arg0: i32) -> (i32, i32) {
    %c0_i32 = arith.constant 0 : i32
    %c0_i32_0 = arith.constant 0 : i32
    return %arg0, %c0_i32 : i32, i32
  }
  func.func @transform_1(%arg0: i32) -> (i32, i32) {
    %c0_i32 = arith.constant 0 : i32
    %c0_i32_0 = arith.constant 0 : i32
    return %arg0, %c0_i32 : i32, i32
  }
  func.func @transform_2(%arg0: i32) -> (i32, i32) {
    %c0_i32 = arith.constant 0 : i32
    %c0_i32_0 = arith.constant 0 : i32
    %c0_i32_1 = arith.constant 0 : i32
    return %c0_i32, %c0_i32_0 : i32, i32
  }
  func.func @transform_3(%arg0: i32) -> (i32, i32) {
    %c0_i32 = arith.constant 0 : i32
    %c0_i32_0 = arith.constant 0 : i32
    %c0_i32_1 = arith.constant 0 : i32
    return %c0_i32, %c0_i32_0 : i32, i32
  }
  func.func @transform_4(%arg0: i32) -> (i32, i32) {
    %add3A = arith.constant 2 : i32
    %add3A_0 = arith.addi %arg0, %add3A : i32
    %c0_i32 = arith.constant 0 : i32
    %c0_i32_1 = arith.constant 0 : i32
    return %add3A_0, %c0_i32 : i32, i32
  }
}

module attributes {stable_mosaic.version = 14 : i64} {
  func.func @body(%arg0: i32, %arg1: memref<1024x128xf32, #tpu.memory_space<vmem>>, %arg2: memref<1024x128xf32, #tpu.memory_space<vmem>>, %arg3: memref<2048x256xbf16, #tpu.memory_space<vmem>>, %arg4: memref<8x128xf32, #tpu.memory_space<vmem>>, %arg5: memref<1024x2048xf32, #tpu.memory_space<vmem>>) attributes {dimension_semantics = [#tpu.dimension_semantics<arbitrary>], iteration_bounds = array<i64: 4>, scalar_prefetch = 0 : i64, scratch_operands = 0 : i64, tpu.core_type = #tpu.core_type<tc>, window_params = [{transform_indices = @transform_0, window_bounds = array<i64: 1024, 128>}, {transform_indices = @transform_1, window_bounds = array<i64: 1024, 128>}, {pipeline_mode = #tpu.pipeline_mode<synchronous>, transform_indices = @transform_2, window_bounds = array<i64: 2048, 256>}, {transform_indices = @transform_3, window_bounds = array<i64: 8, 128>}, {transform_indices = @transform_4, window_bounds = array<i64: 1024, 2048>}]} {
    %get3A = arith.constant 0 : index
    %get3A_0 = arith.constant 0 : index
    %get3A_1 = vector.load %arg1[%get3A, %get3A_0] : memref<1024x128xf32, #tpu.memory_space<vmem>>, vector<1024x128xf32>
    %get3A_2 = arith.constant 0 : index
    %get3A_3 = arith.constant 0 : index
    %get3A_4 = vector.load %arg2[%get3A_2, %get3A_3] : memref<1024x128xf32, #tpu.memory_space<vmem>>, vector<1024x128xf32>
    %concatenate3A = tpu.concatenate %get3A_1, %get3A_4 in 1 : vector<1024x128xf32>, vector<1024x128xf32> -> vector<1024x256xf32>
    %convert_element_type3A = arith.truncf %concatenate3A : vector<1024x256xf32> to vector<1024x256xbf16>
    %get3A_5 = arith.constant 0 : index
    %get3A_6 = arith.constant 0 : index
    %get3A_7 = vector.load %arg3[%get3A_5, %get3A_6] : memref<2048x256xbf16, #tpu.memory_space<vmem>>, vector<2048x256xbf16>
    %dot_general3A = arith.constant dense<0.000000e+00> : vector<1024x2048xf32>
    %dot_general3A_8 = tpu.matmul %convert_element_type3A, %get3A_7, %dot_general3A {dimension_numbers = #tpu.dot_dimension_numbers<[1], [1], [0], [0], [0, 0, 1, 0], [], []>, transpose_lhs_hint = false} : vector<1024x256xbf16>, vector<2048x256xbf16>, vector<1024x2048xf32> -> vector<1024x2048xf32>
    %swap3A = arith.constant 0 : index
    %swap3A_9 = arith.constant 0 : index
    %swap3A_10 = vector.load %arg5[%swap3A, %swap3A_9] : memref<1024x2048xf32, #tpu.memory_space<vmem>>, vector<1024x2048xf32>
    tpu.vector_store %arg5[%swap3A, %swap3A_9], %dot_general3A_8 {strides = array<i32>} : memref<1024x2048xf32, #tpu.memory_space<vmem>>, vector<1024x2048xf32>,
    return
  }
  func.func @transform_0(%arg0: i32) -> (i32, i32) {
    %c0_i32 = arith.constant 0 : i32
    %c0_i32_0 = arith.constant 0 : i32
    return %arg0, %c0_i32 : i32, i32
  }
  func.func @transform_1(%arg0: i32) -> (i32, i32) {
    %c0_i32 = arith.constant 0 : i32
    %c0_i32_0 = arith.constant 0 : i32
    return %arg0, %c0_i32 : i32, i32
  }
  func.func @transform_2(%arg0: i32) -> (i32, i32) {
    %c0_i32 = arith.constant 0 : i32
    %c0_i32_0 = arith.constant 0 : i32
    %c0_i32_1 = arith.constant 0 : i32
    return %c0_i32, %c0_i32_0 : i32, i32
  }
  func.func @transform_3(%arg0: i32) -> (i32, i32) {
    %c0_i32 = arith.constant 0 : i32
    %c0_i32_0 = arith.constant 0 : i32
    %c0_i32_1 = arith.constant 0 : i32
    return %c0_i32, %c0_i32_0 : i32, i32
  }
  func.func @transform_4(%arg0: i32) -> (i32, i32) {
    %add3A = arith.constant 6 : i32
    %add3A_0 = arith.addi %arg0, %add3A : i32
    %c0_i32 = arith.constant 0 : i32
    %c0_i32_1 = arith.constant 0 : i32
    return %add3A_0, %c0_i32 : i32, i32
  }
}

module attributes {stable_mosaic.version = 14 : i64} {
  func.func @body(%arg0: i32, %arg1: memref<1024x128xf32, #tpu.memory_space<vmem>>, %arg2: memref<1024x128xf32, #tpu.memory_space<vmem>>, %arg3: memref<2048x256xbf16, #tpu.memory_space<vmem>>, %arg4: memref<8x128xf32, #tpu.memory_space<vmem>>, %arg5: memref<1024x2048xf32, #tpu.memory_space<vmem>>) attributes {dimension_semantics = [#tpu.dimension_semantics<arbitrary>], iteration_bounds = array<i64: 6>, scalar_prefetch = 0 : i64, scratch_operands = 0 : i64, tpu.core_type = #tpu.core_type<tc>, window_params = [{transform_indices = @transform_0, window_bounds = array<i64: 1024, 128>}, {transform_indices = @transform_1, window_bounds = array<i64: 1024, 128>}, {pipeline_mode = #tpu.pipeline_mode<synchronous>, transform_indices = @transform_2, window_bounds = array<i64: 2048, 256>}, {transform_indices = @transform_3, window_bounds = array<i64: 8, 128>}, {transform_indices = @transform_4, window_bounds = array<i64: 1024, 2048>}]} {
    %get3A = arith.constant 0 : index
    %get3A_0 = arith.constant 0 : index
    %get3A_1 = vector.load %arg1[%get3A, %get3A_0] : memref<1024x128xf32, #tpu.memory_space<vmem>>, vector<1024x128xf32>
    %get3A_2 = arith.constant 0 : index
    %get3A_3 = arith.constant 0 : index
    %get3A_4 = vector.load %arg2[%get3A_2, %get3A_3] : memref<1024x128xf32, #tpu.memory_space<vmem>>, vector<1024x128xf32>
    %concatenate3A = tpu.concatenate %get3A_1, %get3A_4 in 1 : vector<1024x128xf32>, vector<1024x128xf32> -> vector<1024x256xf32>
    %convert_element_type3A = arith.truncf %concatenate3A : vector<1024x256xf32> to vector<1024x256xbf16>
    %get3A_5 = arith.constant 0 : index
    %get3A_6 = arith.constant 0 : index
    %get3A_7 = vector.load %arg3[%get3A_5, %get3A_6] : memref<2048x256xbf16, #tpu.memory_space<vmem>>, vector<2048x256xbf16>
    %dot_general3A = arith.constant dense<0.000000e+00> : vector<1024x2048xf32>
    %dot_general3A_8 = tpu.matmul %convert_element_type3A, %get3A_7, %dot_general3A {dimension_numbers = #tpu.dot_dimension_numbers<[1], [1], [0], [0], [0, 0, 1, 0], [], []>, transpose_lhs_hint = false} : vector<1024x256xbf16>, vector<2048x256xbf16>, vector<1024x2048xf32> -> vector<1024x2048xf32>
    %swap3A = arith.constant 0 : index
    %swap3A_9 = arith.constant 0 : index
    %swap3A_10 = vector.load %arg5[%swap3A, %swap3A_9] : memref<1024x2048xf32, #tpu.memory_space<vmem>>, vector<1024x2048xf32>
    tpu.vector_store %arg5[%swap3A, %swap3A_9], %dot_general3A_8 {strides = array<i32>} : memref<1024x2048xf32, #tpu.memory_space<vmem>>, vector<1024x2048xf32>,
    return
  }
  func.func @transform_0(%arg0: i32) -> (i32, i32) {
    %c0_i32 = arith.constant 0 : i32
    %c0_i32_0 = arith.constant 0 : i32
    return %arg0, %c0_i32 : i32, i32
  }
  func.func @transform_1(%arg0: i32) -> (i32, i32) {
    %c0_i32 = arith.constant 0 : i32
    %c0_i32_0 = arith.constant 0 : i32
    return %arg0, %c0_i32 : i32, i32
  }
  func.func @transform_2(%arg0: i32) -> (i32, i32) {
    %c0_i32 = arith.constant 0 : i32
    %c0_i32_0 = arith.constant 0 : i32
    %c0_i32_1 = arith.constant 0 : i32
    return %c0_i32, %c0_i32_0 : i32, i32
  }
  func.func @transform_3(%arg0: i32) -> (i32, i32) {
    %c0_i32 = arith.constant 0 : i32
    %c0_i32_0 = arith.constant 0 : i32
    %c0_i32_1 = arith.constant 0 : i32
    return %c0_i32, %c0_i32_0 : i32, i32
  }
  func.func @transform_4(%arg0: i32) -> (i32, i32) {
    %add3A = arith.constant 10 : i32
    %add3A_0 = arith.addi %arg0, %add3A : i32
    %c0_i32 = arith.constant 0 : i32
    %c0_i32_1 = arith.constant 0 : i32
    return %add3A_0, %c0_i32 : i32, i32
  }
}

</mosaic_0001>

<sc_bundles>
// kernel: kernel.10.cloned.1.call-start
scs
__scs_entry_jumppad:
0x0: {  	(pc) =	sbr.rel $0x88, $3  }
0x1: {  	(tag) =	ssettag $0x0;
	lr =	simm.s32 $0x1  }
0x2: {  	[smem:$0x3F9D] =	sst lr;
	_ =	strace $0xD0000000  }
0x3: {  	_ = 	snop  }
0x4: {  	_ = 	snop  }
0x5: {  	_ = 	snop  }
0x6: {  	_ = 	snop  }
0x7: {  	_ = 	snop  }
__scs_overlays_trampoline_lowered:
0x8: {  	[smem:$0x3FAC] =	sst s0  }
0x9: {  	[smem:$0x3FAD] =	sst s1  }
0xa: {  	[smem:$0x3FAE] =	sst s2  }
0xb: {  	[smem:$0x3FAF] =	sst s3  }
0xc: {  	[smem:$0x3FB0] =	sst s4  }
0xd: {  	[smem:$0x3FB1] =	sst s5  }
0xe: {  	[smem:$0x3FB2] =	sst s6  }
0xf: {  	[smem:$0x3FB3] =	sst s7  }
0x10: {  	[smem:$0x3FB4] =	sst s8  }
0x11: {  	[smem:$0x3FB5] =	sst s9;
	s0 =	simm.s32 @!p0 $0x0  }
0x12: {  	s1 =	sld [smem:$0x3F9B];
	s0 =	simm.s32 @p0 $0x1  }
0x13: {  	[smem:$0x3FB6] =	sst s0;
	s0 =	simm.s32 @!p1 $0x0  }
0x14: {  	s2 =	sld [smem:$0x3F9A];
	s0 =	simm.s32 @p1 $0x1  }
0x15: {  	[smem:$0x3FB7] =	sst s0;
	s0 =	simm.s32 @!p2 $0x0  }
0x16: {  	s3 =	sld [smem:$0x3FDB];
	s0 =	simm.s32 @p2 $0x1  }
0x17: {  	s4 =	simm.s32 $0x1BF5;
	[smem:$0x3FB9] =	sst s0  }
0x18: {  	s0 =	sld [smem:$0x3F9C];
	_ =	swait.ge [sflag:s4], $0x0  }
0x19: {  	s7 =	sld [smem:$0x3F9D]  }
0x1a: {  	s8 =	sadd.s32 $0xFFFFE003, lr  }
0x1b: {  	s9 =	sadd.s32 $0xFFFFFEF7, lr;
	s5 =	simm.s32 $0xFFFFFFFF;
	p2 =	slt.u32 s8, $0xFFFFF086  }
0x1c: {  	p1 =	slt.u32 s9, $0xF7A;
	s5 =	simm.s32 @!p2 $0x0  }
0x1d: {  	s5 =	simm.s32 @p1 $0x1;
	p0 =	seq.s32 s7, s2  }
0x1e: {  	s7 =	smul.u32 @!p0 $0xF7A, s2;
	p2 =	seq.s32 @!p0 s5, $0x0  }
0x1f: {  	s9 =	smul.u32 $0xF7A, s1;
	s8 =	simm.s32 @!p0 $0x1BF5;
	p2 =	por !p2, p0  }
0x20: {  	[sflag:s8] =	ssyncset.s32 @!p0 $0xFFFFF086;
	s6 =	sadd.s32 @!p0 s3, s7;
	s7 =	simm.s32 @!p0 $0x108  }
0x21: {  	s3 =	sadd.s32 s3, s9;
	s6 =	sadd.s32 @!p0 $0x88, s6;
	s7 =	simm.s32 @p2 $0x1082  }
0x22: {  	[simem:s7], [sflag:s8] =	dma.local @!p0 [hbm:s6], $0xF7A  }
0x23: {  	s9 =	sor.u32 $0xD0000000, s2;
	s6 =	simm.s32 $0x108;
	_ =	swait.ge @!p0 [sflag:s8], $0x0  }
0x24: {  	s3 =	sadd.s32 $0x88, s3;
	s6 =	simm.s32 @!p1 $0x1082;
	[sflag:s4] =	ssyncset.s32 $0xFFFFF086  }
0x25: {  	[simem:s6], [sflag:s4] =	dma.local [hbm:s3], $0xF7A  }
0x26: {  	[smem:$0x3F9D] =	sst s1;
	(tag) =	ssettag s2;
	_ =	strace s9  }
0x27: {  	s1 =	sld [smem:$0x3FAD]  }
0x28: {  	s2 =	sld [smem:$0x3FAE]  }
0x29: {  	s4 =	sld [smem:$0x3FB0]  }
0x2a: {  	p0 =	seq.s32 s5, $0x0;
	s5 =	sld [smem:$0x3FB1]  }
0x2b: {  	s6 =	sld [smem:$0x3FB2]  }
0x2c: {  	s7 =	sld [smem:$0x3FB3]  }
0x2d: {  	s3 =	simm.s32 $0x108;
	s8 =	sld [smem:$0x3FB4]  }
0x2e: {  	s3 =	simm.s32 @!p0 $0x1082;
	s9 =	sld [smem:$0x3FB5]  }
0x2f: {  	lr =	sadd.s32 s0, s3;
	s0 =	sld [smem:$0x3FAC]  }
0x30: {  	s3 =	sld [smem:$0x3FAF]  }
0x31: {  	[smem:$0x3FB8] =	sst s10  }
0x32: {  	s10 =	sld [smem:$0x3FB6];
	_ =	sdelay $0x3  }
0x33: {  	p0 =	seq.s32 s10, $0x1;
	s10 =	sld [smem:$0x3FB8];
	_ =	sdelay $0x3  }
0x34: {  	[smem:$0x3FB8] =	sst s10  }
0x35: {  	s10 =	sld [smem:$0x3FB7];
	_ =	sdelay $0x3  }
0x36: {  	p1 =	seq.s32 s10, $0x1;
	s10 =	sld [smem:$0x3FB8];
	_ =	sdelay $0x3  }
0x37: {  	[smem:$0x3FB8] =	sst s10  }
0x38: {  	s10 =	sld [smem:$0x3FB9]  }
0x39: {  	_ = 	snop;
	(pc) =	sbr.ind lr, $3  }
0x3a: {  	_ = 	snop  }
0x3b: {  	_ = 	snop  }
0x3c: {  	p2 =	seq.s32 s10, $0x1;
	s10 =	sld [smem:$0x3FB8]  }
0x3d: {  	_ =	shalt  }
0x3e: {  	_ =	shalt  }
0x3f: {  	_ =	shalt  }
0x40: {  	_ =	shalt  }
0x41: {  	_ =	shalt  }
0x42: {  	_ =	shalt  }
0x43: {  	_ =	shalt  }
0x44: {  	_ =	shalt  }
0x45: {  	_ =	shalt  }
0x46: {  	_ =	shalt  }
0x47: {  	_ =	shalt  }
0x48: {  	_ =	shalt  }
0x49: {  	_ =	shalt  }
0x4a: {  	_ =	shalt  }
0x4b: {  	_ =	shalt  }
0x4c: {  	_ =	shalt  }
0x4d: {  	_ =	shalt  }
0x4e: {  	_ =	shalt  }
0x4f: {  	_ =	shalt  }
0x50: {  	_ =	shalt  }
0x51: {  	_ =	shalt  }
0x52: {  	_ =	shalt  }
0x53: {  	_ =	shalt  }
0x54: {  	_ =	shalt  }
0x55: {  	_ =	shalt  }
0x56: {  	_ =	shalt  }
0x57: {  	_ =	shalt  }
0x58: {  	_ =	shalt  }
0x59: {  	_ =	shalt  }
0x5a: {  	_ =	shalt  }
0x5b: {  	_ =	shalt  }
0x5c: {  	_ =	shalt  }
0x5d: {  	_ =	shalt  }
0x5e: {  	_ =	shalt  }
0x5f: {  	_ =	shalt  }
0x60: {  	_ =	shalt  }
0x61: {  	_ =	shalt  }
0x62: {  	_ =	shalt  }
0x63: {  	_ =	shalt  }
0x64: {  	_ =	shalt  }
0x65: {  	_ =	shalt  }
0x66: {  	_ =	shalt  }
0x67: {  	_ =	shalt  }
0x68: {  	_ =	shalt  }
0x69: {  	_ =	shalt  }
0x6a: {  	_ =	shalt  }
0x6b: {  	_ =	shalt  }
0x6c: {  	_ =	shalt  }
0x6d: {  	_ =	shalt  }
0x6e: {  	_ =	shalt  }
0x6f: {  	_ =	shalt  }
0x70: {  	_ =	shalt  }
0x71: {  	_ =	shalt  }
0x72: {  	_ =	shalt  }
0x73: {  	_ =	shalt  }
0x74: {  	_ =	shalt  }
0x75: {  	_ =	shalt  }
0x76: {  	_ =	shalt  }
0x77: {  	_ =	shalt  }
0x78: {  	_ =	shalt  }
0x79: {  	_ =	shalt  }
0x7a: {  	_ =	shalt  }
0x7b: {  	_ =	shalt  }
0x7c: {  	_ =	shalt  }
0x7d: {  	_ =	shalt  }
0x7e: {  	_ =	shalt  }
0x7f: {  	_ =	shalt  }
0x80: {  	_ =	shalt  }
0x81: {  	_ =	shalt  }
0x82: {  	_ =	shalt  }
0x83: {  	_ =	shalt  }
0x84: {  	_ =	shalt  }
0x85: {  	_ =	shalt  }
0x86: {  	_ =	shalt  }
0x87: {  	_ =	shalt  }
.Lfunc_end0:
.L_simem_size_0:
called_computation_lowered:
.L_overlay_start_0:
0x88: {  	s2 =	sld [smem:$0x3FD9]  }
0x89: {  	s3 =	sld [smem:$0x3FFE];
	_ =	sdelay $0x1  }
0x8a: {  	s1 =	srdreg.scid  }
0x8b: {  	s0 =	sand.u32 $0x1, s1  }
0x8c: {  	s17 =	sshll.u32 s0, $0xA;
	s2 =	sadd.s32 s3, s2  }
0x8d: {  	s2 =	sadd.s32 s2, s17  }
0x8e: {  	[smem:$0x3FC4] =	sst s2  }
0x8f: {  	_ = 	snop  }
0x90: {  	s2 =	sld [smem:$0x3FC8]  }
0x91: {  	s18 =	sld [smem:$0x3FC7]  }
0x92: {  	s4 =	sld [smem:$0x3FD0];
	(tm) =	ssettm $0x1  }
0x93: {  	s5 =	sld [smem:$0x3FFB];
	_ =	sdelay $0x3  }
0x94: {  	_ =	strace s5  }
0x95: {  	s5 =	sld [smem:$0x3FFC];
	_ =	sdelay $0x3  }
0x96: {  	_ =	strace s5  }
0x97: {  	s5 =	sld [smem:$0x3FFD];
	_ =	sdelay $0x3  }
0x98: {  	_ =	strace s5  }
0x99: {  	_ =	strace $0x8FFFFFFF  }
0x9a: {  	s19 =	sld [smem:$0x3FDB];
	_ =	sdelay $0x1  }
0x9b: {  	s6 =	simm.s32 $_scs_section_size  }
0x9c: {  	s7 =	simm.s32 $_size__tile_overlayer_lowered;
	s8 =	simm.s32 $_tile_overlayer_lowered  }
0x9d: {  	s22 =	simm.s32 $0x1BFF;
	s21 =	sshll.u32 s8, $0x1;
	s5 =	sadd.s32 s6, s19  }
0x9e: {  	s9 =	simm.s32 $0x0;
	s20 =	sshll.u32 s7, $0x1;
	s7 =	sadd.s32 s21, s5  }
0x9f: {  	[timem:s9], [sflag:s22] =	dma.local [hbm:s7], s20  }
0xa0: {  	_ =	swait.ge [sflag:s22], s20  }
0xa1: {  	s6 =	ssub.s32 $0x0, s20;
	[sflag:s22] =	ssyncset.done $0x0  }
0xa2: {  	[sflag:s22] =	ssyncadd.s32 s6;
	_ =	sdelay $0x1  }
0xa3: {  	s23 =	simm.s32 $0x1B8B  }
0xa4: {  	_ =	swait.ge [sflag:s23], $0x1  }
0xa5: {  	[sflag:s23] =	ssyncset.done $0x0  }
0xa6: {  	s25 =	simm.s32 $0x1B8E;
	s24 =	sld [smem:$0x3FFE];
	[sflag:s23] =	ssyncadd.s32 $0xFFFFFFFF  }
0xa7: {  	s26 =	simm.s32 $execute0_lowered;
	[smem:$0x3FD2] =	sst s25  }
0xa8: {  	s7 =	sshll.u32 s26, $0x1;
	_ =	strace $0x80000046;
	[dreg:$0x1] =	wrdreg $0xFFFFFFFF  }
0xa9: {  	s28 =	simm.s32 $_size_execute0_lowered;
	s5 =	sadd.s32 s5, s7;
	[dreg:$0x0] =	wrdreg $0x0  }
0xaa: {  	s7 =	sshll.u32 s28, $0x1;
	[dreg:$0x2] =	wrdreg s5  }
0xab: {  	[dreg:$0x3] =	wrdreg s7  }
0xac: {  	[dreg:$0x4] =	wrdreg $0xC0  }
0xad: {  	_ =	task [dreg:s9], $0x5FFFF  }
0xae: {  	[dreg:$0x1] =	wrdreg $0xFFFFFFFF  }
0xaf: {  	[dreg:$0x0] =	wrdreg $0x60  }
0xb0: {  	[dreg:$0x2] =	wrdreg s24  }
0xb1: {  	[dreg:$0x3] =	wrdreg s2  }
0xb2: {  	[dreg:$0x4] =	wrdreg s18  }
0xb3: {  	[dreg:$0x5] =	wrdreg s4  }
0xb4: {  	[dreg:$0x6] =	wrdreg $0x9  }
0xb5: {  	_ =	task.clear_ibuf [dreg:s9], $0x7FFFF;
	_ =	strace $0x90000046  }
0xb6: {  	s29 =	simm.s32 $0x9;
	_ =	strace $0x80000048  }
0xb7: {  	_ =	swait.ge [sflag:s29], $0x1  }
0xb8: {  	[sflag:s29] =	ssyncadd.s32 $0xFFFFFFFF  }
0xb9: {  	_ =	strace $0x90000048  }
0xba: {  	_ =	sfence  }
0xbb: {  	s30 =	sld [smem:$0x0];
	_ =	sdelay $0x2  }
0xbc: {  	s31 =	sshll.u32 s1, $0xD;
	s1 =	sshrl.u32 s1, $0x2  }
0xbd: {  	s3 =	sand.u32 $0x4000, s31;
	s1 =	sadd.s32 s1, s30  }
0xbe: {  	s0 =	sor.u32 s3, s0;
	s1 =	sshll.u32 s1, $0x11  }
0xbf: {  	s0 =	sor.u32 s1, s0  }
0xc0: {  	s0 =	sadd.s32 $0x8F2B, s0  }
0xc1: {  	[sflag:s0] =	ssyncadd.remote.s32 $0x1  }
0xc2: {  	_ =	sfence.sel $0xFFFF  }
0xc3: {  	[dreg:$0x0] =	wrdreg $0xFFFFFFFF;
	(pc) =	sbr.abs _section_cstart, $3  }
0xc4: {  	[dreg:$0x1] =	wrdreg $0xFFFFFFFF  }
0xc5: {  	_ =	task.clear_ibuf [dreg:s9], $0x2FFFF;
	_ =	strace $0x9FFFFFFF  }
0xc6: {  	(tm) =	ssettm $0x7FFFFFFF  }
0xc7: {  	_ =	shalt  }
tec
execute0_lowered:
.L_overlay_start_1:
0x0: {  	(tag) =	ssettag $0x1  }
0x1: {  	s5 =	rddreg [dreg:$0x0]  }
0x2: {  	s1 =	rddreg [dreg:$0x1]  }
0x3: {  	s2 =	rddreg [dreg:$0x2]  }
0x4: {  	s7 =	rddreg [dreg:$0x3]  }
0x5: {  	s0 =	rddreg [dreg:$0x4];
	s6 =	srdreg.scid  }
0x6: {  	s4 =	simm.s32 $0x0;
	s3 =	stileid.u32;
	s13 =	simm.s32 $0x180  }
0x7: {  	s14 =	simm.s32 $0x100;
	s15 =	simm.s32 $0x2180;
	s16 =	simm.s32 $0x1  }
0x8: {  	s17 =	simm.s32 $0x2;
	s18 =	simm.s32 $0x3;
	s6 =	sand.u32 $0x1, s6  }
0x9: {  	s19 =	simm.s32 $0x0;
	s8 =	sshll.u32 s3, $0x7;
	s9 =	sshll.u32 s6, $0x6  }
0xa: {  	[smem:$0x7FF] =	sst s4;
	s6 =	ssub.s32 $0x2, s6;
	s8 =	sor.u32 s9, s8  }
0xb: {  	_ =	strace $0x80000047;
	s11 =	sshrl.u32 s6, $0x1;
	s9 =	sshrl.u32 s8, $0x3  }
0xc: {  	v0 =	vlaneseq.u32;
	s10 =	sshll.u32 s8, $0x4;
	s11 =	ssub.s32 s6, s11;
	s6 =	sadd.s32 $0xFFFFFFFF, s8  }
0xd: {  	v0 =	vmul.u32 $0xFFFFFFFF, v0;
	s9 =	sadd.s32 s9, s5;
	s12 =	sadd.s32 s10, s5;
	s7 =	sadd.s32 s7, s10  }
0xe: {  	s10 =	simm.s32 $0x4;
	s5 =	sadd.s32 $0x3200, s9;
	s8 =	sadd.s32 $0x3C00, s12  }
0xf: {  	v0 =	vadd.s32 $0xFFFFFFFF, v0;
	s9 =	smax.u32 s11, $0x1;
	s11 =	simm.s32 $0x40;
	s12 =	simm.s32 $0x80  }
.LBB2_1:
0x10: {  	[tilespmem:s4], [sflag:$0x4] =	stream.linear.gather [hbm4b:s5+s4], $0x48, $0x38;
	[tilespmem:$0x4180] =	vst v63  }
0x11: {  	_ =	swait.ge [sflag:s10], $0x48  }
0x12: {  	[sflag:s10] =	ssyncset.done $0x0  }
0x13: {  	s20 =	simm.s32 $0x8;
	[sflag:s10] =	ssyncadd.s32 $0xFFFFFFB8  }
0x14: {  	s21 =	sadd.s32 $0x0, s6;
	v1 =	vld [tilespmem:s20+$0xFFFFFFFF]  }
0x15: {  	v3 =	vmov s21;
	v2 =	vld [tilespmem:s20+$0x0]  }
0x16: {  	v3 =	vsub.s32 v0, v3  }
0x17: {  	v3 =	vand.u32 $0xFFF, v3  }
0x18: {  	vm0 =	veq.s32 v3, $0x0  }
0x19: {  	v1 =	vsel vm0, $0x0, v1  }
0x1a: {  	v4 =	vmul.u32 $0x1F, v2;
	v3 =	vshll.u32 v1, $0xA  }
0x1b: {  	v2 =	vadd.s32 v2, v3  }
0x1c: {  	v1 =	vadd.s32 v1, v4;
	v3 =	vcvt.s32.f32 v2  }
0x1d: {  	v4 =	vcvt.s32.f32 v1  }
0x1e: {  	v3 =	vmul.f32 $9.999999740e-06, v3  }
0x1f: {  	v4 =	vmul.f32 $9.999999740e-06, v4  }
0x20: {  	v3 =	vtrunc.f32 v3  }
0x21: {  	v4 =	vtrunc.f32 v4;
	v3 =	vcvt.f32.s32 v3  }
0x22: {  	v4 =	vcvt.f32.s32 v4  }
0x23: {  	v3 =	vmul.u32 $0xFFFE7960, v3  }
0x24: {  	v4 =	vmul.u32 $0xFFFE7960, v4  }
0x25: {  	v2 =	vadd.s32 v2, v3  }
0x26: {  	v1 =	vadd.s32 v1, v4;
	vm14 =	vlt.s32 v2, $0x0;
	v3 =	vadd.s32 $0x186A0, v2  }
0x27: {  	vm15 =	vlt.s32 v1, $0x0;
	v2 =	vsel vm14, v3, v2;
	v3 =	vadd.s32 $0x186A0, v1  }
0x28: {  	vm1 =	vgt.s32 v2, $0x1869F;
	v63 =	vadd.s32 $0xFFFE7960, v2;
	v1 =	vsel vm15, v3, v1  }
0x29: {  	v2 =	vsel vm1, v63, v2;
	vm0 =	vgt.s32 v1, $0x1869F;
	v3 =	vadd.s32 $0xFFFE7960, v1  }
0x2a: {  	s22 =	simm.s32 $0x100;
	s23 =	simm.s32 $0x80;
	s21 =	simm.s32 $0x10;
	[tilespmem:s12+$0x0] =	vst v2;
	v1 =	vsel vm0, v3, v1  }
.LBB2_2:
0x2b: {  	[tilespmem:s22+$0x0] =	vst v1;
	s23 =	sadd.s32 $0x10, s23;
	s22 =	sadd.s32 $0x10, s22;
	s20 =	sadd.s32 $0x10, s20  }
0x2c: {  	s24 =	sadd.s32 s6, s21;
	p0 =	sne.s32 s21, $0x30;
	s21 =	sadd.s32 $0x10, s21;
	v1 =	vld [tilespmem:s20+$0xFFFFFFFF]  }
0x2d: {  	v3 =	vmov s24;
	v2 =	vld [tilespmem:s20+$0x0]  }
0x2e: {  	v3 =	vsub.s32 v0, v3  }
0x2f: {  	v3 =	vand.u32 $0xFFF, v3  }
0x30: {  	vm0 =	veq.s32 v3, $0x0  }
0x31: {  	v1 =	vsel vm0, $0x0, v1  }
0x32: {  	v3 =	vshll.u32 v1, $0xA;
	v4 =	vmul.u32 $0x1F, v2  }
0x33: {  	v2 =	vadd.s32 v2, v3  }
0x34: {  	v3 =	vcvt.s32.f32 v2;
	v1 =	vadd.s32 v1, v4  }
0x35: {  	v4 =	vcvt.s32.f32 v1  }
0x36: {  	v3 =	vmul.f32 $9.999999740e-06, v3  }
0x37: {  	v4 =	vmul.f32 $9.999999740e-06, v4  }
0x38: {  	v3 =	vtrunc.f32 v3  }
0x39: {  	v3 =	vcvt.f32.s32 v3;
	v4 =	vtrunc.f32 v4  }
0x3a: {  	v4 =	vcvt.f32.s32 v4  }
0x3b: {  	v3 =	vmul.u32 $0xFFFE7960, v3  }
0x3c: {  	v4 =	vmul.u32 $0xFFFE7960, v4  }
0x3d: {  	v2 =	vadd.s32 v2, v3  }
.Ltmp0:
0x3e: {  	vm0 =	vlt.s32 v2, $0x0;
	v3 =	vadd.s32 $0x186A0, v2;
	v1 =	vadd.s32 v1, v4;
	(pc) =	sbr.rel @p0 .LBB2_2-.Ltmp0, $4  }
0x3f: {  	v2 =	vsel vm0, v3, v2;
	vm0 =	vlt.s32 v1, $0x0;
	v3 =	vadd.s32 $0x186A0, v1  }
0x40: {  	vm1 =	vgt.s32 v2, $0x1869F;
	v4 =	vadd.s32 $0xFFFE7960, v2;
	v1 =	vsel vm0, v3, v1  }
0x41: {  	v2 =	vsel vm1, v4, v2;
	vm0 =	vgt.s32 v1, $0x1869F;
	v3 =	vadd.s32 $0xFFFE7960, v1  }
0x42: {  	[tilespmem:s23+$0x0] =	vst v2;
	v1 =	vsel vm0, v3, v1  }
0x43: {  	[tilespmem:s22+$0x0] =	vst v1  }
0x44: {  	[tilespmem:s13], [sflag:$0x1] =	stream.indirect.gather [hbm4b:s1+s11], $0x80, s12, s11, $0xb8;
	[tilespmem:$0x4180] =	vst v63  }
0x45: {  	_ = 	snop  }
0x46: {  	[tilespmem:s15], [sflag:$0x2] =	stream.indirect.gather [hbm4b:s2+s11], $0x80, s14, s11, $0xb8;
	[tilespmem:$0x4180] =	vst v63  }
0x47: {  	_ =	swait.ge [sflag:s16], $0x2000  }
0x48: {  	[sflag:s16] =	ssyncset.done $0x0  }
0x49: {  	[sflag:s16] =	ssyncadd.s32 $0xFFFFE000  }
0x4a: {  	_ =	swait.ge [sflag:s17], $0x2000  }
0x4b: {  	[sflag:s17] =	ssyncset.done $0x0  }
0x4c: {  	[sflag:s17] =	ssyncadd.s32 $0xFFFFE000  }
0x4d: {  	[hbm4b:s7+s4] =	stream.linear.scatter [tilespmem:s13], [sflag:$0x3], $0x2000, $0x38;
	[tilespmem:$0x4180] =	vst v63  }
0x4e: {  	s19 =	sadd.s32 $0x1, s19  }
0x4f: {  	[hbm4b:s8+s4] =	stream.linear.scatter [tilespmem:s15], [sflag:$0x4], $0x2000, $0x38;
	[tilespmem:$0x4180] =	vst v63  }
0x50: {  	p0 =	sne.s32 s19, s9;
	_ =	swait.ge [sflag:s10], $0x2000  }
.Ltmp1:
0x51: {  	[sflag:s10] =	ssyncset.done $0x0;
	(pc) =	sbr.rel @p0 .LBB2_1-.Ltmp1, $4  }
0x52: {  	[sflag:s10] =	ssyncadd.s32 $0xFFFFE000  }
0x53: {  	_ =	swait.ge [sflag:s18], $0x2000  }
0x54: {  	[sflag:s18] =	ssyncset.done $0x0  }
0x55: {  	[sflag:s18] =	ssyncadd.s32 $0xFFFFE000  }
0x56: {  	_ =	sfence.sel $0x180000  }
0x57: {  	[bflag:$0x0] =	sbarrier.arrive $0xFFFF  }
0x58: {  	p0 =	sne.s32 s3, $0x0;
	_ =	strace $0x90000047  }
0x59: {  	s0 =	sadd.s32 @!p0 $0x100000, s0;
	[bflag:$0x2] =	sbarrier.arrive $0xFFFF  }
0x5a: {  	[sflag:s0] =	ssyncadd.tile.s32 @!p0 $0x1;
	_ =	shalt  }
.Lfunc_end2:
_tile_overlayer_lowered:
.L_overlay_start_2:
0x5b: {  	(tag) =	ssettag $0x2  }
0x5c: {  	s0 =	rddreg [dreg:$0x0];
	s2 =	stileid.u32  }
0x5d: {  	s1 =	rddreg [dreg:$0x1];
	p0 =	sne.s32 s2, $0x0  }
0x5e: {  	s3 =	rddreg [dreg:$0x2];
	[bflag:$0x3] =	sbarrier.arrive $0xFFFF;
	s2 =	simm.s32 @!p0 $0x1C04  }
0x5f: {  	[timem:s3], [sflag:s2] =	dma.local @!p0 [hbm:s0], s1  }
0x60: {  	s0 =	simm.s32 @!p0 $0x4  }
0x61: {  	_ =	swait.ge @!p0 [sflag:s0], s1  }
0x62: {  	s1 =	ssub.s32 @!p0 $0x0, s1;
	[sflag:s0] =	ssyncset.done @!p0 $0x0  }
0x63: {  	[sflag:s0] =	ssyncadd.s32 @!p0 s1  }
0x64: {  	[bflag:$0x3] =	sbarrier.arrive $0xFFFF  }
0x65: {  	_ =	shalt  }

// kernel: kernel.13.cloned.1.call-start
scs
__scs_entry_jumppad:
0x0: {  	(pc) =	sbr.rel $0x88, $3  }
0x1: {  	(tag) =	ssettag $0x0;
	lr =	simm.s32 $0x1  }
0x2: {  	[smem:$0x3F9D] =	sst lr;
	_ =	strace $0xD0000000  }
0x3: {  	_ = 	snop  }
0x4: {  	_ = 	snop  }
0x5: {  	_ = 	snop  }
0x6: {  	_ = 	snop  }
0x7: {  	_ = 	snop  }
__scs_overlays_trampoline_lowered:
0x8: {  	[smem:$0x3FAC] =	sst s0  }
0x9: {  	[smem:$0x3FAD] =	sst s1  }
0xa: {  	[smem:$0x3FAE] =	sst s2  }
0xb: {  	[smem:$0x3FAF] =	sst s3  }
0xc: {  	[smem:$0x3FB0] =	sst s4  }
0xd: {  	[smem:$0x3FB1] =	sst s5  }
0xe: {  	[smem:$0x3FB2] =	sst s6  }
0xf: {  	[smem:$0x3FB3] =	sst s7  }
0x10: {  	[smem:$0x3FB4] =	sst s8  }
0x11: {  	[smem:$0x3FB5] =	sst s9;
	s0 =	simm.s32 @!p0 $0x0  }
0x12: {  	s1 =	sld [smem:$0x3F9B];
	s0 =	simm.s32 @p0 $0x1  }
0x13: {  	[smem:$0x3FB6] =	sst s0;
	s0 =	simm.s32 @!p1 $0x0  }
0x14: {  	s2 =	sld [smem:$0x3F9A];
	s0 =	simm.s32 @p1 $0x1  }
0x15: {  	[smem:$0x3FB7] =	sst s0;
	s0 =	simm.s32 @!p2 $0x0  }
0x16: {  	s3 =	sld [smem:$0x3FDB];
	s0 =	simm.s32 @p2 $0x1  }
0x17: {  	s4 =	simm.s32 $0x1BF5;
	[smem:$0x3FB9] =	sst s0  }
0x18: {  	s0 =	sld [smem:$0x3F9C];
	_ =	swait.ge [sflag:s4], $0x0  }
0x19: {  	s7 =	sld [smem:$0x3F9D]  }
0x1a: {  	s8 =	sadd.s32 $0xFFFFE003, lr  }
0x1b: {  	s9 =	sadd.s32 $0xFFFFFEF7, lr;
	s5 =	simm.s32 $0xFFFFFFFF;
	p2 =	slt.u32 s8, $0xFFFFF086  }
0x1c: {  	p1 =	slt.u32 s9, $0xF7A;
	s5 =	simm.s32 @!p2 $0x0  }
0x1d: {  	s5 =	simm.s32 @p1 $0x1;
	p0 =	seq.s32 s7, s2  }
0x1e: {  	s7 =	smul.u32 @!p0 $0xF7A, s2;
	p2 =	seq.s32 @!p0 s5, $0x0  }
0x1f: {  	s9 =	smul.u32 $0xF7A, s1;
	s8 =	simm.s32 @!p0 $0x1BF5;
	p2 =	por !p2, p0  }
0x20: {  	[sflag:s8] =	ssyncset.s32 @!p0 $0xFFFFF086;
	s6 =	sadd.s32 @!p0 s3, s7;
	s7 =	simm.s32 @!p0 $0x108  }
0x21: {  	s3 =	sadd.s32 s3, s9;
	s6 =	sadd.s32 @!p0 $0x88, s6;
	s7 =	simm.s32 @p2 $0x1082  }
0x22: {  	[simem:s7], [sflag:s8] =	dma.local @!p0 [hbm:s6], $0xF7A  }
0x23: {  	s9 =	sor.u32 $0xD0000000, s2;
	s6 =	simm.s32 $0x108;
	_ =	swait.ge @!p0 [sflag:s8], $0x0  }
0x24: {  	s3 =	sadd.s32 $0x88, s3;
	s6 =	simm.s32 @!p1 $0x1082;
	[sflag:s4] =	ssyncset.s32 $0xFFFFF086  }
0x25: {  	[simem:s6], [sflag:s4] =	dma.local [hbm:s3], $0xF7A  }
0x26: {  	[smem:$0x3F9D] =	sst s1;
	(tag) =	ssettag s2;
	_ =	strace s9  }
0x27: {  	s1 =	sld [smem:$0x3FAD]  }
0x28: {  	s2 =	sld [smem:$0x3FAE]  }
0x29: {  	s4 =	sld [smem:$0x3FB0]  }
0x2a: {  	p0 =	seq.s32 s5, $0x0;
	s5 =	sld [smem:$0x3FB1]  }
0x2b: {  	s6 =	sld [smem:$0x3FB2]  }
0x2c: {  	s7 =	sld [smem:$0x3FB3]  }
0x2d: {  	s3 =	simm.s32 $0x108;
	s8 =	sld [smem:$0x3FB4]  }
0x2e: {  	s3 =	simm.s32 @!p0 $0x1082;
	s9 =	sld [smem:$0x3FB5]  }
0x2f: {  	lr =	sadd.s32 s0, s3;
	s0 =	sld [smem:$0x3FAC]  }
0x30: {  	s3 =	sld [smem:$0x3FAF]  }
0x31: {  	[smem:$0x3FB8] =	sst s10  }
0x32: {  	s10 =	sld [smem:$0x3FB6];
	_ =	sdelay $0x3  }
0x33: {  	p0 =	seq.s32 s10, $0x1;
	s10 =	sld [smem:$0x3FB8];
	_ =	sdelay $0x3  }
0x34: {  	[smem:$0x3FB8] =	sst s10  }
0x35: {  	s10 =	sld [smem:$0x3FB7];
	_ =	sdelay $0x3  }
0x36: {  	p1 =	seq.s32 s10, $0x1;
	s10 =	sld [smem:$0x3FB8];
	_ =	sdelay $0x3  }
0x37: {  	[smem:$0x3FB8] =	sst s10  }
0x38: {  	s10 =	sld [smem:$0x3FB9]  }
0x39: {  	_ = 	snop;
	(pc) =	sbr.ind lr, $3  }
0x3a: {  	_ = 	snop  }
0x3b: {  	_ = 	snop  }
0x3c: {  	p2 =	seq.s32 s10, $0x1;
	s10 =	sld [smem:$0x3FB8]  }
0x3d: {  	_ =	shalt  }
0x3e: {  	_ =	shalt  }
0x3f: {  	_ =	shalt  }
0x40: {  	_ =	shalt  }
0x41: {  	_ =	shalt  }
0x42: {  	_ =	shalt  }
0x43: {  	_ =	shalt  }
0x44: {  	_ =	shalt  }
0x45: {  	_ =	shalt  }
0x46: {  	_ =	shalt  }
0x47: {  	_ =	shalt  }
0x48: {  	_ =	shalt  }
0x49: {  	_ =	shalt  }
0x4a: {  	_ =	shalt  }
0x4b: {  	_ =	shalt  }
0x4c: {  	_ =	shalt  }
0x4d: {  	_ =	shalt  }
0x4e: {  	_ =	shalt  }
0x4f: {  	_ =	shalt  }
0x50: {  	_ =	shalt  }
0x51: {  	_ =	shalt  }
0x52: {  	_ =	shalt  }
0x53: {  	_ =	shalt  }
0x54: {  	_ =	shalt  }
0x55: {  	_ =	shalt  }
0x56: {  	_ =	shalt  }
0x57: {  	_ =	shalt  }
0x58: {  	_ =	shalt  }
0x59: {  	_ =	shalt  }
0x5a: {  	_ =	shalt  }
0x5b: {  	_ =	shalt  }
0x5c: {  	_ =	shalt  }
0x5d: {  	_ =	shalt  }
0x5e: {  	_ =	shalt  }
0x5f: {  	_ =	shalt  }
0x60: {  	_ =	shalt  }
0x61: {  	_ =	shalt  }
0x62: {  	_ =	shalt  }
0x63: {  	_ =	shalt  }
0x64: {  	_ =	shalt  }
0x65: {  	_ =	shalt  }
0x66: {  	_ =	shalt  }
0x67: {  	_ =	shalt  }
0x68: {  	_ =	shalt  }
0x69: {  	_ =	shalt  }
0x6a: {  	_ =	shalt  }
0x6b: {  	_ =	shalt  }
0x6c: {  	_ =	shalt  }
0x6d: {  	_ =	shalt  }
0x6e: {  	_ =	shalt  }
0x6f: {  	_ =	shalt  }
0x70: {  	_ =	shalt  }
0x71: {  	_ =	shalt  }
0x72: {  	_ =	shalt  }
0x73: {  	_ =	shalt  }
0x74: {  	_ =	shalt  }
0x75: {  	_ =	shalt  }
0x76: {  	_ =	shalt  }
0x77: {  	_ =	shalt  }
0x78: {  	_ =	shalt  }
0x79: {  	_ =	shalt  }
0x7a: {  	_ =	shalt  }
0x7b: {  	_ =	shalt  }
0x7c: {  	_ =	shalt  }
0x7d: {  	_ =	shalt  }
0x7e: {  	_ =	shalt  }
0x7f: {  	_ =	shalt  }
0x80: {  	_ =	shalt  }
0x81: {  	_ =	shalt  }
0x82: {  	_ =	shalt  }
0x83: {  	_ =	shalt  }
0x84: {  	_ =	shalt  }
0x85: {  	_ =	shalt  }
0x86: {  	_ =	shalt  }
0x87: {  	_ =	shalt  }
.Lfunc_end0:
.L_simem_size_0:
called_computation.1_lowered:
.L_overlay_start_0:
0x88: {  	s2 =	sld [smem:$0x3FD9]  }
0x89: {  	s3 =	sld [smem:$0x3FFE];
	_ =	sdelay $0x1  }
0x8a: {  	s1 =	srdreg.scid  }
0x8b: {  	s0 =	sand.u32 $0x1, s1  }
0x8c: {  	s17 =	sshll.u32 s0, $0xA;
	s2 =	sadd.s32 s3, s2  }
0x8d: {  	s2 =	sadd.s32 s2, s17  }
0x8e: {  	[smem:$0x3FC4] =	sst s2  }
0x8f: {  	_ = 	snop  }
0x90: {  	s18 =	sld [smem:$0x3FC8]  }
0x91: {  	s4 =	sld [smem:$0x3FC7];
	(tm) =	ssettm $0x1  }
0x92: {  	s19 =	sld [smem:$0x3FFB];
	_ =	sdelay $0x3  }
0x93: {  	_ =	strace s19  }
0x94: {  	s2 =	sld [smem:$0x3FFC];
	_ =	sdelay $0x3  }
0x95: {  	_ =	strace s2  }
0x96: {  	s2 =	sld [smem:$0x3FFD];
	_ =	sdelay $0x3  }
0x97: {  	_ =	strace s2  }
0x98: {  	_ =	strace $0x8FFFFFFF  }
0x99: {  	s20 =	sld [smem:$0x3FDB];
	_ =	sdelay $0x1  }
0x9a: {  	s5 =	simm.s32 $_scs_section_size  }
0x9b: {  	s6 =	simm.s32 $_size__tile_overlayer_lowered;
	s7 =	simm.s32 $_tile_overlayer_lowered  }
0x9c: {  	s8 =	simm.s32 $0x1BFF;
	s21 =	sshll.u32 s7, $0x1;
	s5 =	sadd.s32 s5, s20  }
0x9d: {  	s22 =	simm.s32 $0x0;
	s6 =	sshll.u32 s6, $0x1;
	s7 =	sadd.s32 s21, s5  }
0x9e: {  	[timem:s22], [sflag:s8] =	dma.local [hbm:s7], s6  }
0x9f: {  	_ =	swait.ge [sflag:s8], s6  }
0xa0: {  	s6 =	ssub.s32 $0x0, s6;
	[sflag:s8] =	ssyncset.done $0x0  }
0xa1: {  	[sflag:s8] =	ssyncadd.s32 s6;
	_ =	sdelay $0x1  }
0xa2: {  	s23 =	simm.s32 $0x1B8B  }
0xa3: {  	_ =	swait.ge [sflag:s23], $0x1  }
0xa4: {  	[sflag:s23] =	ssyncset.done $0x0  }
0xa5: {  	[sflag:s23] =	ssyncadd.s32 $0xFFFFFFFF  }
0xa6: {  	s6 =	sld [smem:$0x0]  }
0xa7: {  	s7 =	sand.u32 $0xFFFFFFFE, s1  }
0xa8: {  	p0 =	sne.s32 s1, s7  }
0xa9: {  	s7 =	sshll.u32 @p0 s7, $0xE  }
0xaa: {  	s7 =	sadd.s32 @p0 $0x11B8D, s7;
	s8 =	sshll.u32 @p0 s6, $0x11  }
0xab: {  	s7 =	sor.u32 @p0 s8, s7  }
0xac: {  	[sflag:s7] =	ssyncadd.remote.s32 @p0 $0x1;
	_ =	sdelay $0x1  }
0xad: {  	s7 =	simm.s32 @p0 $0x1B8D  }
0xae: {  	_ =	swait.eq @p0 [sflag:s7], $0x1  }
0xaf: {  	[sflag:s7] =	ssyncadd.s32 @p0 $0xFFFFFFFF  }
0xb0: {  	s8 =	sshll.u32 @!p0 s1, $0xE  }
0xb1: {  	s8 =	sor.u32 @!p0 $0x4000, s8;
	s7 =	simm.s32 @!p0 $0x1B8D  }
0xb2: {  	s6 =	sshll.u32 @!p0 s6, $0x11;
	s8 =	sadd.s32 @!p0 $0x11B8D, s8;
	_ =	swait.eq @!p0 [sflag:s7], $0x1  }
0xb3: {  	s6 =	sor.u32 @!p0 s6, s8;
	[sflag:s7] =	ssyncadd.s32 @!p0 $0xFFFFFFFF  }
0xb4: {  	s25 =	simm.s32 $0x1B8E;
	s24 =	sld [smem:$0x3FFE];
	[sflag:s6] =	ssyncadd.remote.s32 @!p0 $0x1  }
0xb5: {  	s26 =	simm.s32 $execute0_lowered;
	[smem:$0x3FD2] =	sst s25  }
0xb6: {  	s7 =	sshll.u32 s26, $0x1;
	_ =	strace $0x80000049;
	[dreg:$0x1] =	wrdreg $0xFFFFFFFF  }
0xb7: {  	s28 =	simm.s32 $_size_execute0_lowered;
	s5 =	sadd.s32 s5, s7;
	[dreg:$0x0] =	wrdreg $0x0  }
0xb8: {  	s7 =	sshll.u32 s28, $0x1;
	[dreg:$0x2] =	wrdreg s5  }
0xb9: {  	[dreg:$0x3] =	wrdreg s7  }
0xba: {  	[dreg:$0x4] =	wrdreg $0xC0  }
0xbb: {  	_ =	task [dreg:s22], $0x5FFFF  }
0xbc: {  	[dreg:$0x1] =	wrdreg $0xFFFFFFFF  }
0xbd: {  	[dreg:$0x0] =	wrdreg $0x60  }
0xbe: {  	[dreg:$0x2] =	wrdreg s24  }
0xbf: {  	[dreg:$0x3] =	wrdreg s18  }
0xc0: {  	[dreg:$0x4] =	wrdreg s4  }
0xc1: {  	[dreg:$0x5] =	wrdreg $0xA  }
0xc2: {  	_ =	task.clear_ibuf [dreg:s22], $0x6FFFF;
	_ =	strace $0x90000049  }
0xc3: {  	s29 =	simm.s32 $0xA;
	_ =	strace $0x8000004B  }
0xc4: {  	_ =	swait.ge [sflag:s29], $0x1  }
0xc5: {  	[sflag:s29] =	ssyncadd.s32 $0xFFFFFFFF  }
0xc6: {  	_ =	strace $0x9000004B  }
0xc7: {  	_ =	sfence  }
0xc8: {  	s30 =	sld [smem:$0x0];
	_ =	sdelay $0x2  }
0xc9: {  	s31 =	sshll.u32 s1, $0xD;
	s1 =	sshrl.u32 s1, $0x2  }
0xca: {  	s4 =	sand.u32 $0x4000, s31;
	s1 =	sadd.s32 s1, s30  }
0xcb: {  	s0 =	sor.u32 s4, s0;
	s1 =	sshll.u32 s1, $0x11  }
0xcc: {  	s0 =	sor.u32 s1, s0  }
0xcd: {  	s0 =	sadd.s32 $0x8F2B, s0  }
0xce: {  	[sflag:s0] =	ssyncadd.remote.s32 $0x1  }
0xcf: {  	_ =	sfence.sel $0xFFFF  }
0xd0: {  	[dreg:$0x0] =	wrdreg $0xFFFFFFFF;
	(pc) =	sbr.abs _section_cstart, $3  }
0xd1: {  	[dreg:$0x1] =	wrdreg $0xFFFFFFFF  }
0xd2: {  	_ =	task.clear_ibuf [dreg:s22], $0x2FFFF;
	_ =	strace $0x9FFFFFFF  }
0xd3: {  	(tm) =	ssettm $0x7FFFFFFF  }
tec
execute0_lowered:
.L_overlay_start_1:
0x0: {  	(tag) =	ssettag $0x1  }
0x1: {  	s5 =	rddreg [dreg:$0x0]  }
0x2: {  	s1 =	rddreg [dreg:$0x1]  }
0x3: {  	s3 =	rddreg [dreg:$0x2]  }
0x4: {  	s0 =	rddreg [dreg:$0x3];
	s6 =	srdreg.scid  }
0x5: {  	s4 =	simm.s32 $0x0;
	s2 =	stileid.u32;
	s11 =	simm.s32 $0x80  }
0x6: {  	s12 =	simm.s32 $0x100;
	s13 =	simm.s32 $0x200;
	s14 =	simm.s32 $0x180  }
0x7: {  	s15 =	simm.s32 $0x4200;
	s16 =	simm.s32 $0x1;
	s17 =	simm.s32 $0x2  }
0x8: {  	s18 =	simm.s32 $0x3;
	s19 =	simm.s32 $0x0;
	s6 =	sand.u32 $0x1, s6  }
0x9: {  	[smem:$0x7FF] =	sst s4;
	s7 =	sshll.u32 s2, $0x8;
	s8 =	sshll.u32 s6, $0x7  }
0xa: {  	_ =	strace $0x8000004A;
	s6 =	ssub.s32 $0x2, s6;
	s7 =	sor.u32 s8, s7  }
0xb: {  	v0 =	vlaneseq.u32;
	s9 =	sshrl.u32 s6, $0x1;
	s8 =	sshll.u32 s7, $0x4;
	s10 =	sshrl.u32 s7, $0x3  }
0xc: {  	v0 =	vmul.u32 $0xFFFFFFFF, v0;
	s9 =	ssub.s32 s6, s9;
	s6 =	sadd.s32 $0x7FF, s7;
	s8 =	sadd.s32 s8, s5  }
0xd: {  	s5 =	sadd.s32 s5, s10;
	s9 =	smax.u32 s9, $0x1;
	s10 =	simm.s32 $0x4  }
0xe: {  	v0 =	vadd.s32 $0xFFFFFFFF, v0;
	s5 =	sadd.s32 $0x3300, s5;
	s7 =	sadd.s32 $0xBC00, s8;
	s8 =	sadd.s32 $0x1BC00, s8  }
.LBB2_1:
0xf: {  	[tilespmem:s4], [sflag:$0x4] =	stream.linear.gather [hbm4b:s5+s4], $0x88, $0x38;
	[tilespmem:$0x8200] =	vst v63  }
0x10: {  	_ =	swait.ge [sflag:s10], $0x88  }
0x11: {  	[sflag:s10] =	ssyncset.done $0x0  }
0x12: {  	s20 =	simm.s32 $0x8;
	[sflag:s10] =	ssyncadd.s32 $0xFFFFFF78  }
0x13: {  	s21 =	sadd.s32 $0x0, s6;
	v1 =	vld [tilespmem:s20+$0xFFFFFFFF]  }
0x14: {  	v3 =	vmov s21;
	v2 =	vld [tilespmem:s20+$0x0]  }
0x15: {  	v3 =	vsub.s32 v0, v3  }
0x16: {  	v3 =	vand.u32 $0xFFF, v3  }
0x17: {  	vm0 =	veq.s32 v3, $0x0  }
0x18: {  	v1 =	vsel vm0, $0x0, v1  }
0x19: {  	v4 =	vmul.u32 $0x1F, v2;
	v3 =	vshll.u32 v1, $0xA  }
0x1a: {  	v2 =	vadd.s32 v2, v3  }
0x1b: {  	v1 =	vadd.s32 v1, v4;
	v3 =	vcvt.s32.f32 v2  }
0x1c: {  	v4 =	vcvt.s32.f32 v1  }
0x1d: {  	v3 =	vmul.f32 $9.999999740e-06, v3  }
0x1e: {  	v4 =	vmul.f32 $9.999999740e-06, v4  }
0x1f: {  	v3 =	vtrunc.f32 v3  }
0x20: {  	v4 =	vtrunc.f32 v4;
	v3 =	vcvt.f32.s32 v3  }
0x21: {  	v4 =	vcvt.f32.s32 v4  }
0x22: {  	v3 =	vmul.u32 $0xFFFE7960, v3  }
0x23: {  	v4 =	vmul.u32 $0xFFFE7960, v4  }
0x24: {  	v2 =	vadd.s32 v2, v3  }
0x25: {  	v1 =	vadd.s32 v1, v4;
	vm14 =	vlt.s32 v2, $0x0;
	v3 =	vadd.s32 $0x186A0, v2  }
0x26: {  	vm15 =	vlt.s32 v1, $0x0;
	v2 =	vsel vm14, v3, v2;
	v3 =	vadd.s32 $0x186A0, v1  }
0x27: {  	vm1 =	vgt.s32 v2, $0x1869F;
	v63 =	vadd.s32 $0xFFFE7960, v2;
	v1 =	vsel vm15, v3, v1  }
0x28: {  	v2 =	vsel vm1, v63, v2;
	vm0 =	vgt.s32 v1, $0x1869F;
	v3 =	vadd.s32 $0xFFFE7960, v1  }
0x29: {  	s22 =	simm.s32 $0x180;
	s23 =	simm.s32 $0x100;
	s21 =	simm.s32 $0x10;
	[tilespmem:s12+$0x0] =	vst v2;
	v1 =	vsel vm0, v3, v1  }
.LBB2_2:
0x2a: {  	[tilespmem:s22+$0x0] =	vst v1;
	s23 =	sadd.s32 $0x10, s23;
	s22 =	sadd.s32 $0x10, s22;
	s20 =	sadd.s32 $0x10, s20  }
0x2b: {  	s24 =	sadd.s32 s6, s21;
	p0 =	sne.s32 s21, $0x70;
	s21 =	sadd.s32 $0x10, s21;
	v1 =	vld [tilespmem:s20+$0xFFFFFFFF]  }
0x2c: {  	v3 =	vmov s24;
	v2 =	vld [tilespmem:s20+$0x0]  }
0x2d: {  	v3 =	vsub.s32 v0, v3  }
0x2e: {  	v3 =	vand.u32 $0xFFF, v3  }
0x2f: {  	vm0 =	veq.s32 v3, $0x0  }
0x30: {  	v1 =	vsel vm0, $0x0, v1  }
0x31: {  	v3 =	vshll.u32 v1, $0xA;
	v4 =	vmul.u32 $0x1F, v2  }
0x32: {  	v2 =	vadd.s32 v2, v3  }
0x33: {  	v3 =	vcvt.s32.f32 v2;
	v1 =	vadd.s32 v1, v4  }
0x34: {  	v4 =	vcvt.s32.f32 v1  }
0x35: {  	v3 =	vmul.f32 $9.999999740e-06, v3  }
0x36: {  	v4 =	vmul.f32 $9.999999740e-06, v4  }
0x37: {  	v3 =	vtrunc.f32 v3  }
0x38: {  	v3 =	vcvt.f32.s32 v3;
	v4 =	vtrunc.f32 v4  }
0x39: {  	v4 =	vcvt.f32.s32 v4  }
0x3a: {  	v3 =	vmul.u32 $0xFFFE7960, v3  }
0x3b: {  	v4 =	vmul.u32 $0xFFFE7960, v4  }
0x3c: {  	v2 =	vadd.s32 v2, v3  }
.Ltmp0:
0x3d: {  	vm0 =	vlt.s32 v2, $0x0;
	v3 =	vadd.s32 $0x186A0, v2;
	v1 =	vadd.s32 v1, v4;
	(pc) =	sbr.rel @p0 .LBB2_2-.Ltmp0, $4  }
0x3e: {  	v2 =	vsel vm0, v3, v2;
	vm0 =	vlt.s32 v1, $0x0;
	v3 =	vadd.s32 $0x186A0, v1  }
0x3f: {  	vm1 =	vgt.s32 v2, $0x1869F;
	v4 =	vadd.s32 $0xFFFE7960, v2;
	v1 =	vsel vm0, v3, v1  }
0x40: {  	v2 =	vsel vm1, v4, v2;
	vm0 =	vgt.s32 v1, $0x1869F;
	v3 =	vadd.s32 $0xFFFE7960, v1  }
0x41: {  	[tilespmem:s23+$0x0] =	vst v2;
	v1 =	vsel vm0, v3, v1  }
0x42: {  	[tilespmem:s22+$0x0] =	vst v1  }
0x43: {  	[tilespmem:s13], [sflag:$0x1] =	stream.indirect.gather [hbm4b:s1+s11], $0x80, s12, s11, $0xb8;
	[tilespmem:$0x8200] =	vst v63  }
0x44: {  	_ = 	snop  }
0x45: {  	[tilespmem:s15], [sflag:$0x2] =	stream.indirect.gather [hbm4b:s3+s11], $0x80, s14, s11, $0xb8;
	[tilespmem:$0x8200] =	vst v63  }
0x46: {  	_ =	swait.ge [sflag:s16], $0x4000  }
0x47: {  	[sflag:s16] =	ssyncset.done $0x0  }
0x48: {  	[sflag:s16] =	ssyncadd.s32 $0xFFFFC000  }
0x49: {  	_ =	swait.ge [sflag:s17], $0x4000  }
0x4a: {  	[sflag:s17] =	ssyncset.done $0x0  }
0x4b: {  	[sflag:s17] =	ssyncadd.s32 $0xFFFFC000  }
0x4c: {  	[hbm4b:s7+s4] =	stream.linear.scatter [tilespmem:s13], [sflag:$0x3], $0x4000, $0x38;
	[tilespmem:$0x8200] =	vst v63  }
0x4d: {  	s19 =	sadd.s32 $0x1, s19  }
0x4e: {  	[hbm4b:s8+s4] =	stream.linear.scatter [tilespmem:s15], [sflag:$0x4], $0x4000, $0x38;
	[tilespmem:$0x8200] =	vst v63  }
0x4f: {  	p0 =	sne.s32 s19, s9;
	_ =	swait.ge [sflag:s10], $0x4000  }
.Ltmp1:
0x50: {  	[sflag:s10] =	ssyncset.done $0x0;
	(pc) =	sbr.rel @p0 .LBB2_1-.Ltmp1, $4  }
0x51: {  	[sflag:s10] =	ssyncadd.s32 $0xFFFFC000  }
0x52: {  	_ =	swait.ge [sflag:s18], $0x4000  }
0x53: {  	[sflag:s18] =	ssyncset.done $0x0  }
0x54: {  	[sflag:s18] =	ssyncadd.s32 $0xFFFFC000  }
0x55: {  	_ =	sfence.sel $0x180000  }
0x56: {  	[bflag:$0x0] =	sbarrier.arrive $0xFFFF  }
0x57: {  	p0 =	sne.s32 s2, $0x0;
	_ =	strace $0x9000004A  }
0x58: {  	s0 =	sadd.s32 @!p0 $0x100000, s0;
	[bflag:$0x2] =	sbarrier.arrive $0xFFFF  }
0x59: {  	[sflag:s0] =	ssyncadd.tile.s32 @!p0 $0x1;
	_ =	shalt  }
.Lfunc_end2:
_tile_overlayer_lowered:
.L_overlay_start_2:
0x5a: {  	(tag) =	ssettag $0x2  }
0x5b: {  	s0 =	rddreg [dreg:$0x0];
	s2 =	stileid.u32  }
0x5c: {  	s1 =	rddreg [dreg:$0x1];
	p0 =	sne.s32 s2, $0x0  }
0x5d: {  	s3 =	rddreg [dreg:$0x2];
	[bflag:$0x3] =	sbarrier.arrive $0xFFFF;
	s2 =	simm.s32 @!p0 $0x1C04  }
0x5e: {  	[timem:s3], [sflag:s2] =	dma.local @!p0 [hbm:s0], s1  }
0x5f: {  	s0 =	simm.s32 @!p0 $0x4  }
0x60: {  	_ =	swait.ge @!p0 [sflag:s0], s1  }
0x61: {  	s1 =	ssub.s32 @!p0 $0x0, s1;
	[sflag:s0] =	ssyncset.done @!p0 $0x0  }
0x62: {  	[sflag:s0] =	ssyncadd.s32 @!p0 s1  }
0x63: {  	[bflag:$0x3] =	sbarrier.arrive $0xFFFF  }
0x64: {  	_ =	shalt  }

// kernel: kernel.16.cloned.1.call-start
scs
__scs_entry_jumppad:
0x0: {  	(pc) =	sbr.rel $0x88, $3  }
0x1: {  	(tag) =	ssettag $0x0;
	lr =	simm.s32 $0x1  }
0x2: {  	[smem:$0x3F9D] =	sst lr;
	_ =	strace $0xD0000000  }
0x3: {  	_ = 	snop  }
0x4: {  	_ = 	snop  }
0x5: {  	_ = 	snop  }
0x6: {  	_ = 	snop  }
0x7: {  	_ = 	snop  }
__scs_overlays_trampoline_lowered:
0x8: {  	[smem:$0x3FAC] =	sst s0  }
0x9: {  	[smem:$0x3FAD] =	sst s1  }
0xa: {  	[smem:$0x3FAE] =	sst s2  }
0xb: {  	[smem:$0x3FAF] =	sst s3  }
0xc: {  	[smem:$0x3FB0] =	sst s4  }
0xd: {  	[smem:$0x3FB1] =	sst s5  }
0xe: {  	[smem:$0x3FB2] =	sst s6  }
0xf: {  	[smem:$0x3FB3] =	sst s7  }
0x10: {  	[smem:$0x3FB4] =	sst s8  }
0x11: {  	[smem:$0x3FB5] =	sst s9;
	s0 =	simm.s32 @!p0 $0x0  }
0x12: {  	s1 =	sld [smem:$0x3F9B];
	s0 =	simm.s32 @p0 $0x1  }
0x13: {  	[smem:$0x3FB6] =	sst s0;
	s0 =	simm.s32 @!p1 $0x0  }
0x14: {  	s2 =	sld [smem:$0x3F9A];
	s0 =	simm.s32 @p1 $0x1  }
0x15: {  	[smem:$0x3FB7] =	sst s0;
	s0 =	simm.s32 @!p2 $0x0  }
0x16: {  	s3 =	sld [smem:$0x3FDB];
	s0 =	simm.s32 @p2 $0x1  }
0x17: {  	s4 =	simm.s32 $0x1BF5;
	[smem:$0x3FB9] =	sst s0  }
0x18: {  	s0 =	sld [smem:$0x3F9C];
	_ =	swait.ge [sflag:s4], $0x0  }
0x19: {  	s7 =	sld [smem:$0x3F9D]  }
0x1a: {  	s8 =	sadd.s32 $0xFFFFE003, lr  }
0x1b: {  	s9 =	sadd.s32 $0xFFFFFEF7, lr;
	s5 =	simm.s32 $0xFFFFFFFF;
	p2 =	slt.u32 s8, $0xFFFFF086  }
0x1c: {  	p1 =	slt.u32 s9, $0xF7A;
	s5 =	simm.s32 @!p2 $0x0  }
0x1d: {  	s5 =	simm.s32 @p1 $0x1;
	p0 =	seq.s32 s7, s2  }
0x1e: {  	s7 =	smul.u32 @!p0 $0xF7A, s2;
	p2 =	seq.s32 @!p0 s5, $0x0  }
0x1f: {  	s9 =	smul.u32 $0xF7A, s1;
	s8 =	simm.s32 @!p0 $0x1BF5;
	p2 =	por !p2, p0  }
0x20: {  	[sflag:s8] =	ssyncset.s32 @!p0 $0xFFFFF086;
	s6 =	sadd.s32 @!p0 s3, s7;
	s7 =	simm.s32 @!p0 $0x108  }
0x21: {  	s3 =	sadd.s32 s3, s9;
	s6 =	sadd.s32 @!p0 $0x88, s6;
	s7 =	simm.s32 @p2 $0x1082  }
0x22: {  	[simem:s7], [sflag:s8] =	dma.local @!p0 [hbm:s6], $0xF7A  }
0x23: {  	s9 =	sor.u32 $0xD0000000, s2;
	s6 =	simm.s32 $0x108;
	_ =	swait.ge @!p0 [sflag:s8], $0x0  }
0x24: {  	s3 =	sadd.s32 $0x88, s3;
	s6 =	simm.s32 @!p1 $0x1082;
	[sflag:s4] =	ssyncset.s32 $0xFFFFF086  }
0x25: {  	[simem:s6], [sflag:s4] =	dma.local [hbm:s3], $0xF7A  }
0x26: {  	[smem:$0x3F9D] =	sst s1;
	(tag) =	ssettag s2;
	_ =	strace s9  }
0x27: {  	s1 =	sld [smem:$0x3FAD]  }
0x28: {  	s2 =	sld [smem:$0x3FAE]  }
0x29: {  	s4 =	sld [smem:$0x3FB0]  }
0x2a: {  	p0 =	seq.s32 s5, $0x0;
	s5 =	sld [smem:$0x3FB1]  }
0x2b: {  	s6 =	sld [smem:$0x3FB2]  }
0x2c: {  	s7 =	sld [smem:$0x3FB3]  }
0x2d: {  	s3 =	simm.s32 $0x108;
	s8 =	sld [smem:$0x3FB4]  }
0x2e: {  	s3 =	simm.s32 @!p0 $0x1082;
	s9 =	sld [smem:$0x3FB5]  }
0x2f: {  	lr =	sadd.s32 s0, s3;
	s0 =	sld [smem:$0x3FAC]  }
0x30: {  	s3 =	sld [smem:$0x3FAF]  }
0x31: {  	[smem:$0x3FB8] =	sst s10  }
0x32: {  	s10 =	sld [smem:$0x3FB6];
	_ =	sdelay $0x3  }
0x33: {  	p0 =	seq.s32 s10, $0x1;
	s10 =	sld [smem:$0x3FB8];
	_ =	sdelay $0x3  }
0x34: {  	[smem:$0x3FB8] =	sst s10  }
0x35: {  	s10 =	sld [smem:$0x3FB7];
	_ =	sdelay $0x3  }
0x36: {  	p1 =	seq.s32 s10, $0x1;
	s10 =	sld [smem:$0x3FB8];
	_ =	sdelay $0x3  }
0x37: {  	[smem:$0x3FB8] =	sst s10  }
0x38: {  	s10 =	sld [smem:$0x3FB9]  }
0x39: {  	_ = 	snop;
	(pc) =	sbr.ind lr, $3  }
0x3a: {  	_ = 	snop  }
0x3b: {  	_ = 	snop  }
0x3c: {  	p2 =	seq.s32 s10, $0x1;
	s10 =	sld [smem:$0x3FB8]  }
0x3d: {  	_ =	shalt  }
0x3e: {  	_ =	shalt  }
0x3f: {  	_ =	shalt  }
0x40: {  	_ =	shalt  }
0x41: {  	_ =	shalt  }
0x42: {  	_ =	shalt  }
0x43: {  	_ =	shalt  }
0x44: {  	_ =	shalt  }
0x45: {  	_ =	shalt  }
0x46: {  	_ =	shalt  }
0x47: {  	_ =	shalt  }
0x48: {  	_ =	shalt  }
0x49: {  	_ =	shalt  }
0x4a: {  	_ =	shalt  }
0x4b: {  	_ =	shalt  }
0x4c: {  	_ =	shalt  }
0x4d: {  	_ =	shalt  }
0x4e: {  	_ =	shalt  }
0x4f: {  	_ =	shalt  }
0x50: {  	_ =	shalt  }
0x51: {  	_ =	shalt  }
0x52: {  	_ =	shalt  }
0x53: {  	_ =	shalt  }
0x54: {  	_ =	shalt  }
0x55: {  	_ =	shalt  }
0x56: {  	_ =	shalt  }
0x57: {  	_ =	shalt  }
0x58: {  	_ =	shalt  }
0x59: {  	_ =	shalt  }
0x5a: {  	_ =	shalt  }
0x5b: {  	_ =	shalt  }
0x5c: {  	_ =	shalt  }
0x5d: {  	_ =	shalt  }
0x5e: {  	_ =	shalt  }
0x5f: {  	_ =	shalt  }
0x60: {  	_ =	shalt  }
0x61: {  	_ =	shalt  }
0x62: {  	_ =	shalt  }
0x63: {  	_ =	shalt  }
0x64: {  	_ =	shalt  }
0x65: {  	_ =	shalt  }
0x66: {  	_ =	shalt  }
0x67: {  	_ =	shalt  }
0x68: {  	_ =	shalt  }
0x69: {  	_ =	shalt  }
0x6a: {  	_ =	shalt  }
0x6b: {  	_ =	shalt  }
0x6c: {  	_ =	shalt  }
0x6d: {  	_ =	shalt  }
0x6e: {  	_ =	shalt  }
0x6f: {  	_ =	shalt  }
0x70: {  	_ =	shalt  }
0x71: {  	_ =	shalt  }
0x72: {  	_ =	shalt  }
0x73: {  	_ =	shalt  }
0x74: {  	_ =	shalt  }
0x75: {  	_ =	shalt  }
0x76: {  	_ =	shalt  }
0x77: {  	_ =	shalt  }
0x78: {  	_ =	shalt  }
0x79: {  	_ =	shalt  }
0x7a: {  	_ =	shalt  }
0x7b: {  	_ =	shalt  }
0x7c: {  	_ =	shalt  }
0x7d: {  	_ =	shalt  }
0x7e: {  	_ =	shalt  }
0x7f: {  	_ =	shalt  }
0x80: {  	_ =	shalt  }
0x81: {  	_ =	shalt  }
0x82: {  	_ =	shalt  }
0x83: {  	_ =	shalt  }
0x84: {  	_ =	shalt  }
0x85: {  	_ =	shalt  }
0x86: {  	_ =	shalt  }
0x87: {  	_ =	shalt  }
.Lfunc_end0:
.L_simem_size_0:
called_computation.2_lowered:
.L_overlay_start_0:
0x88: {  	s2 =	sld [smem:$0x3FD9]  }
0x89: {  	s3 =	sld [smem:$0x3FFE];
	_ =	sdelay $0x1  }
0x8a: {  	s1 =	srdreg.scid  }
0x8b: {  	s0 =	sand.u32 $0x1, s1  }
0x8c: {  	s17 =	sshll.u32 s0, $0xA;
	s2 =	sadd.s32 s3, s2  }
0x8d: {  	s2 =	sadd.s32 s2, s17  }
0x8e: {  	[smem:$0x3FC4] =	sst s2  }
0x8f: {  	_ = 	snop  }
0x90: {  	s18 =	sld [smem:$0x3FC8]  }
0x91: {  	s4 =	sld [smem:$0x3FC7];
	(tm) =	ssettm $0x1  }
0x92: {  	s19 =	sld [smem:$0x3FFB];
	_ =	sdelay $0x3  }
0x93: {  	_ =	strace s19  }
0x94: {  	s2 =	sld [smem:$0x3FFC];
	_ =	sdelay $0x3  }
0x95: {  	_ =	strace s2  }
0x96: {  	s2 =	sld [smem:$0x3FFD];
	_ =	sdelay $0x3  }
0x97: {  	_ =	strace s2  }
0x98: {  	_ =	strace $0x8FFFFFFF  }
0x99: {  	s20 =	sld [smem:$0x3FDB];
	_ =	sdelay $0x1  }
0x9a: {  	s5 =	simm.s32 $_scs_section_size  }
0x9b: {  	s6 =	simm.s32 $_size__tile_overlayer_lowered;
	s7 =	simm.s32 $_tile_overlayer_lowered  }
0x9c: {  	s8 =	simm.s32 $0x1BFF;
	s21 =	sshll.u32 s7, $0x1;
	s5 =	sadd.s32 s5, s20  }
0x9d: {  	s22 =	simm.s32 $0x0;
	s6 =	sshll.u32 s6, $0x1;
	s7 =	sadd.s32 s21, s5  }
0x9e: {  	[timem:s22], [sflag:s8] =	dma.local [hbm:s7], s6  }
0x9f: {  	_ =	swait.ge [sflag:s8], s6  }
0xa0: {  	s6 =	ssub.s32 $0x0, s6;
	[sflag:s8] =	ssyncset.done $0x0  }
0xa1: {  	[sflag:s8] =	ssyncadd.s32 s6;
	_ =	sdelay $0x1  }
0xa2: {  	s23 =	simm.s32 $0x1B8B  }
0xa3: {  	_ =	swait.ge [sflag:s23], $0x1  }
0xa4: {  	[sflag:s23] =	ssyncset.done $0x0  }
0xa5: {  	[sflag:s23] =	ssyncadd.s32 $0xFFFFFFFF  }
0xa6: {  	s6 =	sld [smem:$0x0]  }
0xa7: {  	s7 =	sand.u32 $0xFFFFFFFE, s1  }
0xa8: {  	p0 =	sne.s32 s1, s7  }
0xa9: {  	s7 =	sshll.u32 @p0 s7, $0xE  }
0xaa: {  	s7 =	sadd.s32 @p0 $0x11B8D, s7;
	s8 =	sshll.u32 @p0 s6, $0x11  }
0xab: {  	s7 =	sor.u32 @p0 s8, s7  }
0xac: {  	[sflag:s7] =	ssyncadd.remote.s32 @p0 $0x1;
	_ =	sdelay $0x1  }
0xad: {  	s7 =	simm.s32 @p0 $0x1B8D  }
0xae: {  	_ =	swait.eq @p0 [sflag:s7], $0x1  }
0xaf: {  	[sflag:s7] =	ssyncadd.s32 @p0 $0xFFFFFFFF  }
0xb0: {  	s8 =	sshll.u32 @!p0 s1, $0xE  }
0xb1: {  	s8 =	sor.u32 @!p0 $0x4000, s8;
	s7 =	simm.s32 @!p0 $0x1B8D  }
0xb2: {  	s6 =	sshll.u32 @!p0 s6, $0x11;
	s8 =	sadd.s32 @!p0 $0x11B8D, s8;
	_ =	swait.eq @!p0 [sflag:s7], $0x1  }
0xb3: {  	s6 =	sor.u32 @!p0 s6, s8;
	[sflag:s7] =	ssyncadd.s32 @!p0 $0xFFFFFFFF  }
0xb4: {  	s25 =	simm.s32 $0x1B8E;
	s24 =	sld [smem:$0x3FFE];
	[sflag:s6] =	ssyncadd.remote.s32 @!p0 $0x1  }
0xb5: {  	s26 =	simm.s32 $execute0_lowered;
	[smem:$0x3FD2] =	sst s25  }
0xb6: {  	s7 =	sshll.u32 s26, $0x1;
	_ =	strace $0x8000004C;
	[dreg:$0x1] =	wrdreg $0xFFFFFFFF  }
0xb7: {  	s28 =	simm.s32 $_size_execute0_lowered;
	s5 =	sadd.s32 s5, s7;
	[dreg:$0x0] =	wrdreg $0x0  }
0xb8: {  	s7 =	sshll.u32 s28, $0x1;
	[dreg:$0x2] =	wrdreg s5  }
0xb9: {  	[dreg:$0x3] =	wrdreg s7  }
0xba: {  	[dreg:$0x4] =	wrdreg $0xC0  }
0xbb: {  	_ =	task [dreg:s22], $0x5FFFF  }
0xbc: {  	[dreg:$0x1] =	wrdreg $0xFFFFFFFF  }
0xbd: {  	[dreg:$0x0] =	wrdreg $0x60  }
0xbe: {  	[dreg:$0x2] =	wrdreg s24  }
0xbf: {  	[dreg:$0x3] =	wrdreg s18  }
0xc0: {  	[dreg:$0x4] =	wrdreg s4  }
0xc1: {  	[dreg:$0x5] =	wrdreg $0xB  }
0xc2: {  	_ =	task.clear_ibuf [dreg:s22], $0x6FFFF;
	_ =	strace $0x9000004C  }
0xc3: {  	s29 =	simm.s32 $0xB;
	_ =	strace $0x8000004E  }
0xc4: {  	_ =	swait.ge [sflag:s29], $0x1  }
0xc5: {  	[sflag:s29] =	ssyncadd.s32 $0xFFFFFFFF  }
0xc6: {  	_ =	strace $0x9000004E  }
0xc7: {  	_ =	sfence  }
0xc8: {  	s30 =	sld [smem:$0x0];
	_ =	sdelay $0x2  }
0xc9: {  	s31 =	sshll.u32 s1, $0xD;
	s1 =	sshrl.u32 s1, $0x2  }
0xca: {  	s4 =	sand.u32 $0x4000, s31;
	s1 =	sadd.s32 s1, s30  }
0xcb: {  	s0 =	sor.u32 s4, s0;
	s1 =	sshll.u32 s1, $0x11  }
0xcc: {  	s0 =	sor.u32 s1, s0  }
0xcd: {  	s0 =	sadd.s32 $0x8F2B, s0  }
0xce: {  	[sflag:s0] =	ssyncadd.remote.s32 $0x1  }
0xcf: {  	_ =	sfence.sel $0xFFFF  }
0xd0: {  	[dreg:$0x0] =	wrdreg $0xFFFFFFFF;
	(pc) =	sbr.abs _section_cstart, $3  }
0xd1: {  	[dreg:$0x1] =	wrdreg $0xFFFFFFFF  }
0xd2: {  	_ =	task.clear_ibuf [dreg:s22], $0x2FFFF;
	_ =	strace $0x9FFFFFFF  }
0xd3: {  	(tm) =	ssettm $0x7FFFFFFF  }
tec
execute0_lowered:
.L_overlay_start_1:
0x0: {  	(tag) =	ssettag $0x1  }
0x1: {  	s5 =	rddreg [dreg:$0x0]  }
0x2: {  	s1 =	rddreg [dreg:$0x1]  }
0x3: {  	s3 =	rddreg [dreg:$0x2]  }
0x4: {  	s0 =	rddreg [dreg:$0x3];
	s6 =	srdreg.scid  }
0x5: {  	s4 =	simm.s32 $0x0;
	s2 =	stileid.u32;
	s11 =	simm.s32 $0x80  }
0x6: {  	s12 =	simm.s32 $0x100;
	s13 =	simm.s32 $0x200;
	s14 =	simm.s32 $0x180  }
0x7: {  	s15 =	simm.s32 $0x4200;
	s16 =	simm.s32 $0x1;
	s17 =	simm.s32 $0x2  }
0x8: {  	s18 =	simm.s32 $0x3;
	s19 =	simm.s32 $0x0;
	s6 =	sand.u32 $0x1, s6  }
0x9: {  	[smem:$0x7FF] =	sst s4;
	s7 =	sshll.u32 s2, $0x8;
	s8 =	sshll.u32 s6, $0x7  }
0xa: {  	_ =	strace $0x8000004D;
	s6 =	ssub.s32 $0x2, s6;
	s7 =	sor.u32 s8, s7  }
0xb: {  	v0 =	vlaneseq.u32;
	s9 =	sshrl.u32 s6, $0x1;
	s8 =	sshll.u32 s7, $0x4;
	s10 =	sshrl.u32 s7, $0x3  }
0xc: {  	v0 =	vmul.u32 $0xFFFFFFFF, v0;
	s9 =	ssub.s32 s6, s9;
	s6 =	sadd.s32 $0x17FF, s7;
	s8 =	sadd.s32 s8, s5  }
0xd: {  	s5 =	sadd.s32 s5, s10;
	s9 =	smax.u32 s9, $0x1;
	s10 =	simm.s32 $0x4  }
0xe: {  	v0 =	vadd.s32 $0xFFFFFFFF, v0;
	s5 =	sadd.s32 $0x3500, s5;
	s7 =	sadd.s32 $0x2BC00, s8;
	s8 =	sadd.s32 $0x3BC00, s8  }
.LBB2_1:
0xf: {  	[tilespmem:s4], [sflag:$0x4] =	stream.linear.gather [hbm4b:s5+s4], $0x88, $0x38;
	[tilespmem:$0x8200] =	vst v63  }
0x10: {  	_ =	swait.ge [sflag:s10], $0x88  }
0x11: {  	[sflag:s10] =	ssyncset.done $0x0  }
0x12: {  	s20 =	simm.s32 $0x8;
	[sflag:s10] =	ssyncadd.s32 $0xFFFFFF78  }
0x13: {  	s21 =	sadd.s32 $0x0, s6;
	v1 =	vld [tilespmem:s20+$0xFFFFFFFF]  }
0x14: {  	v3 =	vmov s21;
	v2 =	vld [tilespmem:s20+$0x0]  }
0x15: {  	v3 =	vsub.s32 v0, v3  }
0x16: {  	v3 =	vand.u32 $0xFFF, v3  }
0x17: {  	vm0 =	veq.s32 v3, $0x0  }
0x18: {  	v1 =	vsel vm0, $0x0, v1  }
0x19: {  	v4 =	vmul.u32 $0x1F, v2;
	v3 =	vshll.u32 v1, $0xA  }
0x1a: {  	v2 =	vadd.s32 v2, v3  }
0x1b: {  	v1 =	vadd.s32 v1, v4;
	v3 =	vcvt.s32.f32 v2  }
0x1c: {  	v4 =	vcvt.s32.f32 v1  }
0x1d: {  	v3 =	vmul.f32 $9.999999740e-06, v3  }
0x1e: {  	v4 =	vmul.f32 $9.999999740e-06, v4  }
0x1f: {  	v3 =	vtrunc.f32 v3  }
0x20: {  	v4 =	vtrunc.f32 v4;
	v3 =	vcvt.f32.s32 v3  }
0x21: {  	v4 =	vcvt.f32.s32 v4  }
0x22: {  	v3 =	vmul.u32 $0xFFFE7960, v3  }
0x23: {  	v4 =	vmul.u32 $0xFFFE7960, v4  }
0x24: {  	v2 =	vadd.s32 v2, v3  }
0x25: {  	v1 =	vadd.s32 v1, v4;
	vm14 =	vlt.s32 v2, $0x0;
	v3 =	vadd.s32 $0x186A0, v2  }
0x26: {  	vm15 =	vlt.s32 v1, $0x0;
	v2 =	vsel vm14, v3, v2;
	v3 =	vadd.s32 $0x186A0, v1  }
0x27: {  	vm1 =	vgt.s32 v2, $0x1869F;
	v63 =	vadd.s32 $0xFFFE7960, v2;
	v1 =	vsel vm15, v3, v1  }
0x28: {  	v2 =	vsel vm1, v63, v2;
	vm0 =	vgt.s32 v1, $0x1869F;
	v3 =	vadd.s32 $0xFFFE7960, v1  }
0x29: {  	s22 =	simm.s32 $0x180;
	s23 =	simm.s32 $0x100;
	s21 =	simm.s32 $0x10;
	[tilespmem:s12+$0x0] =	vst v2;
	v1 =	vsel vm0, v3, v1  }
.LBB2_2:
0x2a: {  	[tilespmem:s22+$0x0] =	vst v1;
	s23 =	sadd.s32 $0x10, s23;
	s22 =	sadd.s32 $0x10, s22;
	s20 =	sadd.s32 $0x10, s20  }
0x2b: {  	s24 =	sadd.s32 s6, s21;
	p0 =	sne.s32 s21, $0x70;
	s21 =	sadd.s32 $0x10, s21;
	v1 =	vld [tilespmem:s20+$0xFFFFFFFF]  }
0x2c: {  	v3 =	vmov s24;
	v2 =	vld [tilespmem:s20+$0x0]  }
0x2d: {  	v3 =	vsub.s32 v0, v3  }
0x2e: {  	v3 =	vand.u32 $0xFFF, v3  }
0x2f: {  	vm0 =	veq.s32 v3, $0x0  }
0x30: {  	v1 =	vsel vm0, $0x0, v1  }
0x31: {  	v3 =	vshll.u32 v1, $0xA;
	v4 =	vmul.u32 $0x1F, v2  }
0x32: {  	v2 =	vadd.s32 v2, v3  }
0x33: {  	v3 =	vcvt.s32.f32 v2;
	v1 =	vadd.s32 v1, v4  }
0x34: {  	v4 =	vcvt.s32.f32 v1  }
0x35: {  	v3 =	vmul.f32 $9.999999740e-06, v3  }
0x36: {  	v4 =	vmul.f32 $9.999999740e-06, v4  }
0x37: {  	v3 =	vtrunc.f32 v3  }
0x38: {  	v3 =	vcvt.f32.s32 v3;
	v4 =	vtrunc.f32 v4  }
0x39: {  	v4 =	vcvt.f32.s32 v4  }
0x3a: {  	v3 =	vmul.u32 $0xFFFE7960, v3  }
0x3b: {  	v4 =	vmul.u32 $0xFFFE7960, v4  }
0x3c: {  	v2 =	vadd.s32 v2, v3  }
.Ltmp0:
0x3d: {  	vm0 =	vlt.s32 v2, $0x0;
	v3 =	vadd.s32 $0x186A0, v2;
	v1 =	vadd.s32 v1, v4;
	(pc) =	sbr.rel @p0 .LBB2_2-.Ltmp0, $4  }
0x3e: {  	v2 =	vsel vm0, v3, v2;
	vm0 =	vlt.s32 v1, $0x0;
	v3 =	vadd.s32 $0x186A0, v1  }
0x3f: {  	vm1 =	vgt.s32 v2, $0x1869F;
	v4 =	vadd.s32 $0xFFFE7960, v2;
	v1 =	vsel vm0, v3, v1  }
0x40: {  	v2 =	vsel vm1, v4, v2;
	vm0 =	vgt.s32 v1, $0x1869F;
	v3 =	vadd.s32 $0xFFFE7960, v1  }
0x41: {  	[tilespmem:s23+$0x0] =	vst v2;
	v1 =	vsel vm0, v3, v1  }
0x42: {  	[tilespmem:s22+$0x0] =	vst v1  }
0x43: {  	[tilespmem:s13], [sflag:$0x1] =	stream.indirect.gather [hbm4b:s1+s11], $0x80, s12, s11, $0xb8;
	[tilespmem:$0x8200] =	vst v63  }
0x44: {  	_ = 	snop  }
0x45: {  	[tilespmem:s15], [sflag:$0x2] =	stream.indirect.gather [hbm4b:s3+s11], $0x80, s14, s11, $0xb8;
	[tilespmem:$0x8200] =	vst v63  }
0x46: {  	_ =	swait.ge [sflag:s16], $0x4000  }
0x47: {  	[sflag:s16] =	ssyncset.done $0x0  }
0x48: {  	[sflag:s16] =	ssyncadd.s32 $0xFFFFC000  }
0x49: {  	_ =	swait.ge [sflag:s17], $0x4000  }
0x4a: {  	[sflag:s17] =	ssyncset.done $0x0  }
0x4b: {  	[sflag:s17] =	ssyncadd.s32 $0xFFFFC000  }
0x4c: {  	[hbm4b:s7+s4] =	stream.linear.scatter [tilespmem:s13], [sflag:$0x3], $0x4000, $0x38;
	[tilespmem:$0x8200] =	vst v63  }
0x4d: {  	s19 =	sadd.s32 $0x1, s19  }
0x4e: {  	[hbm4b:s8+s4] =	stream.linear.scatter [tilespmem:s15], [sflag:$0x4], $0x4000, $0x38;
	[tilespmem:$0x8200] =	vst v63  }
0x4f: {  	p0 =	sne.s32 s19, s9;
	_ =	swait.ge [sflag:s10], $0x4000  }
.Ltmp1:
0x50: {  	[sflag:s10] =	ssyncset.done $0x0;
	(pc) =	sbr.rel @p0 .LBB2_1-.Ltmp1, $4  }
0x51: {  	[sflag:s10] =	ssyncadd.s32 $0xFFFFC000  }
0x52: {  	_ =	swait.ge [sflag:s18], $0x4000  }
0x53: {  	[sflag:s18] =	ssyncset.done $0x0  }
0x54: {  	[sflag:s18] =	ssyncadd.s32 $0xFFFFC000  }
0x55: {  	_ =	sfence.sel $0x180000  }
0x56: {  	[bflag:$0x0] =	sbarrier.arrive $0xFFFF  }
0x57: {  	p0 =	sne.s32 s2, $0x0;
	_ =	strace $0x9000004D  }
0x58: {  	s0 =	sadd.s32 @!p0 $0x100000, s0;
	[bflag:$0x2] =	sbarrier.arrive $0xFFFF  }
0x59: {  	[sflag:s0] =	ssyncadd.tile.s32 @!p0 $0x1;
	_ =	shalt  }
.Lfunc_end2:
_tile_overlayer_lowered:
.L_overlay_start_2:
0x5a: {  	(tag) =	ssettag $0x2  }
0x5b: {  	s0 =	rddreg [dreg:$0x0];
	s2 =	stileid.u32  }
0x5c: {  	s1 =	rddreg [dreg:$0x1];
	p0 =	sne.s32 s2, $0x0  }
0x5d: {  	s3 =	rddreg [dreg:$0x2];
	[bflag:$0x3] =	sbarrier.arrive $0xFFFF;
	s2 =	simm.s32 @!p0 $0x1C04  }
0x5e: {  	[timem:s3], [sflag:s2] =	dma.local @!p0 [hbm:s0], s1  }
0x5f: {  	s0 =	simm.s32 @!p0 $0x4  }
0x60: {  	_ =	swait.ge @!p0 [sflag:s0], s1  }
0x61: {  	s1 =	ssub.s32 @!p0 $0x0, s1;
	[sflag:s0] =	ssyncset.done @!p0 $0x0  }
0x62: {  	[sflag:s0] =	ssyncadd.s32 @!p0 s1  }
0x63: {  	[bflag:$0x3] =	sbarrier.arrive $0xFFFF  }
0x64: {  	_ =	shalt  }

// kernel: kernel.19.cloned.1.call-start
scs
__scs_entry_jumppad:
0x0: {  	(pc) =	sbr.rel $0x88, $3  }
0x1: {  	(tag) =	ssettag $0x0;
	lr =	simm.s32 $0x1  }
0x2: {  	[smem:$0x3F9D] =	sst lr;
	_ =	strace $0xD0000000  }
0x3: {  	_ = 	snop  }
0x4: {  	_ = 	snop  }
0x5: {  	_ = 	snop  }
0x6: {  	_ = 	snop  }
0x7: {  	_ = 	snop  }
__scs_overlays_trampoline_lowered:
0x8: {  	[smem:$0x3FAC] =	sst s0  }
0x9: {  	[smem:$0x3FAD] =	sst s1  }
0xa: {  	[smem:$0x3FAE] =	sst s2  }
0xb: {  	[smem:$0x3FAF] =	sst s3  }
0xc: {  	[smem:$0x3FB0] =	sst s4  }
0xd: {  	[smem:$0x3FB1] =	sst s5  }
0xe: {  	[smem:$0x3FB2] =	sst s6  }
0xf: {  	[smem:$0x3FB3] =	sst s7  }
0x10: {  	[smem:$0x3FB4] =	sst s8  }
0x11: {  	[smem:$0x3FB5] =	sst s9;
	s0 =	simm.s32 @!p0 $0x0  }
0x12: {  	s1 =	sld [smem:$0x3F9B];
	s0 =	simm.s32 @p0 $0x1  }
0x13: {  	[smem:$0x3FB6] =	sst s0;
	s0 =	simm.s32 @!p1 $0x0  }
0x14: {  	s2 =	sld [smem:$0x3F9A];
	s0 =	simm.s32 @p1 $0x1  }
0x15: {  	[smem:$0x3FB7] =	sst s0;
	s0 =	simm.s32 @!p2 $0x0  }
0x16: {  	s3 =	sld [smem:$0x3FDB];
	s0 =	simm.s32 @p2 $0x1  }
0x17: {  	s4 =	simm.s32 $0x1BF5;
	[smem:$0x3FB9] =	sst s0  }
0x18: {  	s0 =	sld [smem:$0x3F9C];
	_ =	swait.ge [sflag:s4], $0x0  }
0x19: {  	s7 =	sld [smem:$0x3F9D]  }
0x1a: {  	s8 =	sadd.s32 $0xFFFFE003, lr  }
0x1b: {  	s9 =	sadd.s32 $0xFFFFFEF7, lr;
	s5 =	simm.s32 $0xFFFFFFFF;
	p2 =	slt.u32 s8, $0xFFFFF086  }
0x1c: {  	p1 =	slt.u32 s9, $0xF7A;
	s5 =	simm.s32 @!p2 $0x0  }
0x1d: {  	s5 =	simm.s32 @p1 $0x1;
	p0 =	seq.s32 s7, s2  }
0x1e: {  	s7 =	smul.u32 @!p0 $0xF7A, s2;
	p2 =	seq.s32 @!p0 s5, $0x0  }
0x1f: {  	s9 =	smul.u32 $0xF7A, s1;
	s8 =	simm.s32 @!p0 $0x1BF5;
	p2 =	por !p2, p0  }
0x20: {  	[sflag:s8] =	ssyncset.s32 @!p0 $0xFFFFF086;
	s6 =	sadd.s32 @!p0 s3, s7;
	s7 =	simm.s32 @!p0 $0x108  }
0x21: {  	s3 =	sadd.s32 s3, s9;
	s6 =	sadd.s32 @!p0 $0x88, s6;
	s7 =	simm.s32 @p2 $0x1082  }
0x22: {  	[simem:s7], [sflag:s8] =	dma.local @!p0 [hbm:s6], $0xF7A  }
0x23: {  	s9 =	sor.u32 $0xD0000000, s2;
	s6 =	simm.s32 $0x108;
	_ =	swait.ge @!p0 [sflag:s8], $0x0  }
0x24: {  	s3 =	sadd.s32 $0x88, s3;
	s6 =	simm.s32 @!p1 $0x1082;
	[sflag:s4] =	ssyncset.s32 $0xFFFFF086  }
0x25: {  	[simem:s6], [sflag:s4] =	dma.local [hbm:s3], $0xF7A  }
0x26: {  	[smem:$0x3F9D] =	sst s1;
	(tag) =	ssettag s2;
	_ =	strace s9  }
0x27: {  	s1 =	sld [smem:$0x3FAD]  }
0x28: {  	s2 =	sld [smem:$0x3FAE]  }
0x29: {  	s4 =	sld [smem:$0x3FB0]  }
0x2a: {  	p0 =	seq.s32 s5, $0x0;
	s5 =	sld [smem:$0x3FB1]  }
0x2b: {  	s6 =	sld [smem:$0x3FB2]  }
0x2c: {  	s7 =	sld [smem:$0x3FB3]  }
0x2d: {  	s3 =	simm.s32 $0x108;
	s8 =	sld [smem:$0x3FB4]  }
0x2e: {  	s3 =	simm.s32 @!p0 $0x1082;
	s9 =	sld [smem:$0x3FB5]  }
0x2f: {  	lr =	sadd.s32 s0, s3;
	s0 =	sld [smem:$0x3FAC]  }
0x30: {  	s3 =	sld [smem:$0x3FAF]  }
0x31: {  	[smem:$0x3FB8] =	sst s10  }
0x32: {  	s10 =	sld [smem:$0x3FB6];
	_ =	sdelay $0x3  }
0x33: {  	p0 =	seq.s32 s10, $0x1;
	s10 =	sld [smem:$0x3FB8];
	_ =	sdelay $0x3  }
0x34: {  	[smem:$0x3FB8] =	sst s10  }
0x35: {  	s10 =	sld [smem:$0x3FB7];
	_ =	sdelay $0x3  }
0x36: {  	p1 =	seq.s32 s10, $0x1;
	s10 =	sld [smem:$0x3FB8];
	_ =	sdelay $0x3  }
0x37: {  	[smem:$0x3FB8] =	sst s10  }
0x38: {  	s10 =	sld [smem:$0x3FB9]  }
0x39: {  	_ = 	snop;
	(pc) =	sbr.ind lr, $3  }
0x3a: {  	_ = 	snop  }
0x3b: {  	_ = 	snop  }
0x3c: {  	p2 =	seq.s32 s10, $0x1;
	s10 =	sld [smem:$0x3FB8]  }
0x3d: {  	_ =	shalt  }
0x3e: {  	_ =	shalt  }
0x3f: {  	_ =	shalt  }
0x40: {  	_ =	shalt  }
0x41: {  	_ =	shalt  }
0x42: {  	_ =	shalt  }
0x43: {  	_ =	shalt  }
0x44: {  	_ =	shalt  }
0x45: {  	_ =	shalt  }
0x46: {  	_ =	shalt  }
0x47: {  	_ =	shalt  }
0x48: {  	_ =	shalt  }
0x49: {  	_ =	shalt  }
0x4a: {  	_ =	shalt  }
0x4b: {  	_ =	shalt  }
0x4c: {  	_ =	shalt  }
0x4d: {  	_ =	shalt  }
0x4e: {  	_ =	shalt  }
0x4f: {  	_ =	shalt  }
0x50: {  	_ =	shalt  }
0x51: {  	_ =	shalt  }
0x52: {  	_ =	shalt  }
0x53: {  	_ =	shalt  }
0x54: {  	_ =	shalt  }
0x55: {  	_ =	shalt  }
0x56: {  	_ =	shalt  }
0x57: {  	_ =	shalt  }
0x58: {  	_ =	shalt  }
0x59: {  	_ =	shalt  }
0x5a: {  	_ =	shalt  }
0x5b: {  	_ =	shalt  }
0x5c: {  	_ =	shalt  }
0x5d: {  	_ =	shalt  }
0x5e: {  	_ =	shalt  }
0x5f: {  	_ =	shalt  }
0x60: {  	_ =	shalt  }
0x61: {  	_ =	shalt  }
0x62: {  	_ =	shalt  }
0x63: {  	_ =	shalt  }
0x64: {  	_ =	shalt  }
0x65: {  	_ =	shalt  }
0x66: {  	_ =	shalt  }
0x67: {  	_ =	shalt  }
0x68: {  	_ =	shalt  }
0x69: {  	_ =	shalt  }
0x6a: {  	_ =	shalt  }
0x6b: {  	_ =	shalt  }
0x6c: {  	_ =	shalt  }
0x6d: {  	_ =	shalt  }
0x6e: {  	_ =	shalt  }
0x6f: {  	_ =	shalt  }
0x70: {  	_ =	shalt  }
0x71: {  	_ =	shalt  }
0x72: {  	_ =	shalt  }
0x73: {  	_ =	shalt  }
0x74: {  	_ =	shalt  }
0x75: {  	_ =	shalt  }
0x76: {  	_ =	shalt  }
0x77: {  	_ =	shalt  }
0x78: {  	_ =	shalt  }
0x79: {  	_ =	shalt  }
0x7a: {  	_ =	shalt  }
0x7b: {  	_ =	shalt  }
0x7c: {  	_ =	shalt  }
0x7d: {  	_ =	shalt  }
0x7e: {  	_ =	shalt  }
0x7f: {  	_ =	shalt  }
0x80: {  	_ =	shalt  }
0x81: {  	_ =	shalt  }
0x82: {  	_ =	shalt  }
0x83: {  	_ =	shalt  }
0x84: {  	_ =	shalt  }
0x85: {  	_ =	shalt  }
0x86: {  	_ =	shalt  }
0x87: {  	_ =	shalt  }
.Lfunc_end0:
.L_simem_size_0:
called_computation.3_lowered:
.L_overlay_start_0:
0x88: {  	s2 =	sld [smem:$0x3FD9]  }
0x89: {  	s3 =	sld [smem:$0x3FFE];
	_ =	sdelay $0x1  }
0x8a: {  	s1 =	srdreg.scid  }
0x8b: {  	s0 =	sand.u32 $0x1, s1  }
0x8c: {  	s17 =	sshll.u32 s0, $0xA;
	s2 =	sadd.s32 s3, s2  }
0x8d: {  	s2 =	sadd.s32 s2, s17  }
0x8e: {  	[smem:$0x3FC4] =	sst s2  }
0x8f: {  	_ = 	snop  }
0x90: {  	s18 =	sld [smem:$0x3FC8]  }
0x91: {  	s4 =	sld [smem:$0x3FC7];
	(tm) =	ssettm $0x1  }
0x92: {  	s19 =	sld [smem:$0x3FFB];
	_ =	sdelay $0x3  }
0x93: {  	_ =	strace s19  }
0x94: {  	s2 =	sld [smem:$0x3FFC];
	_ =	sdelay $0x3  }
0x95: {  	_ =	strace s2  }
0x96: {  	s2 =	sld [smem:$0x3FFD];
	_ =	sdelay $0x3  }
0x97: {  	_ =	strace s2  }
0x98: {  	_ =	strace $0x8FFFFFFF  }
0x99: {  	s20 =	sld [smem:$0x3FDB];
	_ =	sdelay $0x1  }
0x9a: {  	s5 =	simm.s32 $_scs_section_size  }
0x9b: {  	s6 =	simm.s32 $_size__tile_overlayer_lowered;
	s7 =	simm.s32 $_tile_overlayer_lowered  }
0x9c: {  	s8 =	simm.s32 $0x1BFF;
	s21 =	sshll.u32 s7, $0x1;
	s5 =	sadd.s32 s5, s20  }
0x9d: {  	s22 =	simm.s32 $0x0;
	s6 =	sshll.u32 s6, $0x1;
	s7 =	sadd.s32 s21, s5  }
0x9e: {  	[timem:s22], [sflag:s8] =	dma.local [hbm:s7], s6  }
0x9f: {  	_ =	swait.ge [sflag:s8], s6  }
0xa0: {  	s6 =	ssub.s32 $0x0, s6;
	[sflag:s8] =	ssyncset.done $0x0  }
0xa1: {  	[sflag:s8] =	ssyncadd.s32 s6;
	_ =	sdelay $0x1  }
0xa2: {  	s23 =	simm.s32 $0x1B8B  }
0xa3: {  	_ =	swait.ge [sflag:s23], $0x1  }
0xa4: {  	[sflag:s23] =	ssyncset.done $0x0  }
0xa5: {  	[sflag:s23] =	ssyncadd.s32 $0xFFFFFFFF  }
0xa6: {  	s6 =	sld [smem:$0x0]  }
0xa7: {  	s7 =	sand.u32 $0xFFFFFFFE, s1  }
0xa8: {  	p0 =	sne.s32 s1, s7  }
0xa9: {  	s7 =	sshll.u32 @p0 s7, $0xE  }
0xaa: {  	s7 =	sadd.s32 @p0 $0x11B8D, s7;
	s8 =	sshll.u32 @p0 s6, $0x11  }
0xab: {  	s7 =	sor.u32 @p0 s8, s7  }
0xac: {  	[sflag:s7] =	ssyncadd.remote.s32 @p0 $0x1;
	_ =	sdelay $0x1  }
0xad: {  	s7 =	simm.s32 @p0 $0x1B8D  }
0xae: {  	_ =	swait.eq @p0 [sflag:s7], $0x1  }
0xaf: {  	[sflag:s7] =	ssyncadd.s32 @p0 $0xFFFFFFFF  }
0xb0: {  	s8 =	sshll.u32 @!p0 s1, $0xE  }
0xb1: {  	s8 =	sor.u32 @!p0 $0x4000, s8;
	s7 =	simm.s32 @!p0 $0x1B8D  }
0xb2: {  	s6 =	sshll.u32 @!p0 s6, $0x11;
	s8 =	sadd.s32 @!p0 $0x11B8D, s8;
	_ =	swait.eq @!p0 [sflag:s7], $0x1  }
0xb3: {  	s6 =	sor.u32 @!p0 s6, s8;
	[sflag:s7] =	ssyncadd.s32 @!p0 $0xFFFFFFFF  }
0xb4: {  	s25 =	simm.s32 $0x1B8E;
	s24 =	sld [smem:$0x3FFE];
	[sflag:s6] =	ssyncadd.remote.s32 @!p0 $0x1  }
0xb5: {  	s26 =	simm.s32 $execute0_lowered;
	[smem:$0x3FD2] =	sst s25  }
0xb6: {  	s7 =	sshll.u32 s26, $0x1;
	_ =	strace $0x8000004F;
	[dreg:$0x1] =	wrdreg $0xFFFFFFFF  }
0xb7: {  	s28 =	simm.s32 $_size_execute0_lowered;
	s5 =	sadd.s32 s5, s7;
	[dreg:$0x0] =	wrdreg $0x0  }
0xb8: {  	s7 =	sshll.u32 s28, $0x1;
	[dreg:$0x2] =	wrdreg s5  }
0xb9: {  	[dreg:$0x3] =	wrdreg s7  }
0xba: {  	[dreg:$0x4] =	wrdreg $0xC0  }
0xbb: {  	_ =	task [dreg:s22], $0x5FFFF  }
0xbc: {  	[dreg:$0x1] =	wrdreg $0xFFFFFFFF  }
0xbd: {  	[dreg:$0x0] =	wrdreg $0x60  }
0xbe: {  	[dreg:$0x2] =	wrdreg s24  }
0xbf: {  	[dreg:$0x3] =	wrdreg s18  }
0xc0: {  	[dreg:$0x4] =	wrdreg s4  }
0xc1: {  	[dreg:$0x5] =	wrdreg $0xC  }
0xc2: {  	_ =	task.clear_ibuf [dreg:s22], $0x6FFFF;
	_ =	strace $0x9000004F  }
0xc3: {  	s29 =	simm.s32 $0xC;
	_ =	strace $0x80000051  }
0xc4: {  	_ =	swait.ge [sflag:s29], $0x1  }
0xc5: {  	[sflag:s29] =	ssyncadd.s32 $0xFFFFFFFF  }
0xc6: {  	_ =	strace $0x90000051  }
0xc7: {  	_ =	sfence  }
0xc8: {  	s30 =	sld [smem:$0x0];
	_ =	sdelay $0x2  }
0xc9: {  	s31 =	sshll.u32 s1, $0xD;
	s1 =	sshrl.u32 s1, $0x2  }
0xca: {  	s4 =	sand.u32 $0x4000, s31;
	s1 =	sadd.s32 s1, s30  }
0xcb: {  	s0 =	sor.u32 s4, s0;
	s1 =	sshll.u32 s1, $0x11  }
0xcc: {  	s0 =	sor.u32 s1, s0  }
0xcd: {  	s0 =	sadd.s32 $0x8F2B, s0  }
0xce: {  	[sflag:s0] =	ssyncadd.remote.s32 $0x1  }
0xcf: {  	_ =	sfence.sel $0xFFFF  }
0xd0: {  	[dreg:$0x0] =	wrdreg $0xFFFFFFFF;
	(pc) =	sbr.abs _section_cstart, $3  }
0xd1: {  	[dreg:$0x1] =	wrdreg $0xFFFFFFFF  }
0xd2: {  	_ =	task.clear_ibuf [dreg:s22], $0x2FFFF;
	_ =	strace $0x9FFFFFFF  }
0xd3: {  	(tm) =	ssettm $0x7FFFFFFF  }
tec
execute0_lowered:
.L_overlay_start_1:
0x0: {  	(tag) =	ssettag $0x1  }
0x1: {  	s5 =	rddreg [dreg:$0x0];
	s1 =	srdreg.scid  }
0x2: {  	s0 =	stileid.u32;
	s2 =	rddreg [dreg:$0x1]  }
0x3: {  	s3 =	rddreg [dreg:$0x2];
	s4 =	simm.s32 $0x0;
	s11 =	simm.s32 $0x80  }
0x4: {  	s12 =	simm.s32 $0x100;
	s13 =	simm.s32 $0x300;
	s14 =	simm.s32 $0x200  }
0x5: {  	s15 =	simm.s32 $0x6300;
	s16 =	simm.s32 $0x40;
	s17 =	simm.s32 $0x180  }
0x6: {  	s18 =	simm.s32 $0x4300;
	s19 =	simm.s32 $0x280;
	s20 =	simm.s32 $0xA300  }
0x7: {  	s21 =	simm.s32 $0x1;
	s6 =	sand.u32 $0x1, s1;
	s29 =	sshll.u32 s0, $0x1  }
0x8: {  	s22 =	simm.s32 $0x2;
	s23 =	simm.s32 $0x3;
	s7 =	sor.u32 s6, s29  }
0x9: {  	s24 =	simm.s32 $0x0;
	s6 =	ssub.s32 $0x2, s6;
	s8 =	smul.u32 $0xC0, s7  }
0xa: {  	[smem:$0x7FF] =	sst s4;
	s7 =	smul.u32 $0xC00, s7;
	s30 =	sshrl.u32 s6, $0x1  }
0xb: {  	v0 =	vlaneseq.u32;
	s1 =	rddreg [dreg:$0x3];
	_ =	strace $0x80000050;
	s31 =	ssub.s32 s6, s30  }
0xc: {  	v0 =	vmul.u32 $0xFFFFFFFF, v0;
	s9 =	sshrl.u32 s8, $0x3;
	s10 =	sadd.s32 s7, s5;
	s6 =	sadd.s32 $0x27FF, s8  }
0xd: {  	s5 =	sadd.s32 s5, s9;
	s7 =	sadd.s32 $0x4BC00, s10;
	s8 =	sadd.s32 $0x63C00, s10  }
0xe: {  	v0 =	vadd.s32 $0xFFFFFFFF, v0;
	s9 =	smax.u32 s31, $0x1;
	s10 =	simm.s32 $0x4;
	s5 =	sadd.s32 $0x3700, s5  }
.LBB2_1:
0xf: {  	[tilespmem:s4], [sflag:$0x4] =	stream.linear.gather [hbm4b:s5+s4], $0xC8, $0x38;
	[tilespmem:$0xC300] =	vst v63  }
0x10: {  	_ =	swait.ge [sflag:s10], $0xC8  }
0x11: {  	[sflag:s10] =	ssyncset.done $0x0  }
0x12: {  	s25 =	simm.s32 $0x8;
	[sflag:s10] =	ssyncadd.s32 $0xFFFFFF38  }
0x13: {  	s26 =	sadd.s32 $0x0, s6;
	v1 =	vld [tilespmem:s25+$0xFFFFFFFF]  }
0x14: {  	v3 =	vmov s26;
	v2 =	vld [tilespmem:s25+$0x0]  }
0x15: {  	v3 =	vsub.s32 v0, v3  }
0x16: {  	v3 =	vand.u32 $0xFFF, v3  }
0x17: {  	vm0 =	veq.s32 v3, $0x0  }
0x18: {  	v1 =	vsel vm0, $0x0, v1  }
0x19: {  	v4 =	vmul.u32 $0x1F, v2;
	v3 =	vshll.u32 v1, $0xA  }
0x1a: {  	v2 =	vadd.s32 v2, v3  }
0x1b: {  	v1 =	vadd.s32 v1, v4;
	v3 =	vcvt.s32.f32 v2  }
0x1c: {  	v4 =	vcvt.s32.f32 v1  }
0x1d: {  	v3 =	vmul.f32 $9.999999740e-06, v3  }
0x1e: {  	v4 =	vmul.f32 $9.999999740e-06, v4  }
0x1f: {  	v3 =	vtrunc.f32 v3  }
0x20: {  	v4 =	vtrunc.f32 v4;
	v3 =	vcvt.f32.s32 v3  }
0x21: {  	v4 =	vcvt.f32.s32 v4  }
0x22: {  	v3 =	vmul.u32 $0xFFFE7960, v3  }
0x23: {  	v4 =	vmul.u32 $0xFFFE7960, v4  }
0x24: {  	v2 =	vadd.s32 v2, v3  }
0x25: {  	v1 =	vadd.s32 v1, v4;
	vm14 =	vlt.s32 v2, $0x0;
	v3 =	vadd.s32 $0x186A0, v2  }
0x26: {  	vm15 =	vlt.s32 v1, $0x0;
	v2 =	vsel vm14, v3, v2;
	v3 =	vadd.s32 $0x186A0, v1  }
0x27: {  	vm1 =	vgt.s32 v2, $0x1869F;
	v63 =	vadd.s32 $0xFFFE7960, v2;
	v1 =	vsel vm15, v3, v1  }
0x28: {  	v2 =	vsel vm1, v63, v2;
	vm0 =	vgt.s32 v1, $0x1869F;
	v3 =	vadd.s32 $0xFFFE7960, v1  }
0x29: {  	s28 =	simm.s32 $0x200;
	s29 =	simm.s32 $0x100;
	s26 =	simm.s32 $0x10;
	[tilespmem:s12+$0x0] =	vst v2;
	v1 =	vsel vm0, v3, v1  }
.LBB2_2:
0x2a: {  	[tilespmem:s28+$0x0] =	vst v1;
	s29 =	sadd.s32 $0x10, s29;
	s28 =	sadd.s32 $0x10, s28;
	s25 =	sadd.s32 $0x10, s25  }
0x2b: {  	s30 =	sadd.s32 s6, s26;
	p0 =	sne.s32 s26, $0xB0;
	s26 =	sadd.s32 $0x10, s26;
	v1 =	vld [tilespmem:s25+$0xFFFFFFFF]  }
0x2c: {  	v3 =	vmov s30;
	v2 =	vld [tilespmem:s25+$0x0]  }
0x2d: {  	v3 =	vsub.s32 v0, v3  }
0x2e: {  	v3 =	vand.u32 $0xFFF, v3  }
0x2f: {  	vm0 =	veq.s32 v3, $0x0  }
0x30: {  	v1 =	vsel vm0, $0x0, v1  }
0x31: {  	v3 =	vshll.u32 v1, $0xA;
	v4 =	vmul.u32 $0x1F, v2  }
0x32: {  	v2 =	vadd.s32 v2, v3  }
0x33: {  	v3 =	vcvt.s32.f32 v2;
	v1 =	vadd.s32 v1, v4  }
0x34: {  	v4 =	vcvt.s32.f32 v1  }
0x35: {  	v3 =	vmul.f32 $9.999999740e-06, v3  }
0x36: {  	v4 =	vmul.f32 $9.999999740e-06, v4  }
0x37: {  	v3 =	vtrunc.f32 v3  }
0x38: {  	v3 =	vcvt.f32.s32 v3;
	v4 =	vtrunc.f32 v4  }
0x39: {  	v4 =	vcvt.f32.s32 v4  }
0x3a: {  	v3 =	vmul.u32 $0xFFFE7960, v3  }
0x3b: {  	v4 =	vmul.u32 $0xFFFE7960, v4  }
0x3c: {  	v2 =	vadd.s32 v2, v3  }
.Ltmp0:
0x3d: {  	vm0 =	vlt.s32 v2, $0x0;
	v3 =	vadd.s32 $0x186A0, v2;
	v1 =	vadd.s32 v1, v4;
	(pc) =	sbr.rel @p0 .LBB2_2-.Ltmp0, $4  }
0x3e: {  	v2 =	vsel vm0, v3, v2;
	vm0 =	vlt.s32 v1, $0x0;
	v3 =	vadd.s32 $0x186A0, v1  }
0x3f: {  	vm1 =	vgt.s32 v2, $0x1869F;
	v4 =	vadd.s32 $0xFFFE7960, v2;
	v1 =	vsel vm0, v3, v1  }
0x40: {  	v2 =	vsel vm1, v4, v2;
	vm0 =	vgt.s32 v1, $0x1869F;
	v3 =	vadd.s32 $0xFFFE7960, v1  }
0x41: {  	[tilespmem:s29+$0x0] =	vst v2;
	v1 =	vsel vm0, v3, v1  }
0x42: {  	[tilespmem:s28+$0x0] =	vst v1  }
0x43: {  	[tilespmem:s13], [sflag:$0x1] =	stream.indirect.gather [hbm4b:s2+s11], $0x80, s12, s11, $0xb8;
	[tilespmem:$0xC300] =	vst v63  }
0x44: {  	_ = 	snop  }
0x45: {  	[tilespmem:s15], [sflag:$0x2] =	stream.indirect.gather [hbm4b:s3+s11], $0x80, s14, s11, $0xb8;
	[tilespmem:$0xC300] =	vst v63  }
0x46: {  	_ = 	snop  }
0x47: {  	[tilespmem:s18], [sflag:$0x1] =	stream.indirect.gather [hbm4b:s2+s16], $0x80, s17, s16, $0xb8;
	[tilespmem:$0xC300] =	vst v63  }
0x48: {  	_ = 	snop  }
0x49: {  	[tilespmem:s20], [sflag:$0x2] =	stream.indirect.gather [hbm4b:s3+s16], $0x80, s19, s16, $0xb8;
	[tilespmem:$0xC300] =	vst v63  }
0x4a: {  	_ =	swait.ge [sflag:s21], $0x4000  }
0x4b: {  	[sflag:s21] =	ssyncset.done $0x0  }
0x4c: {  	[sflag:s21] =	ssyncadd.s32 $0xFFFFC000  }
0x4d: {  	_ =	swait.ge [sflag:s22], $0x4000  }
0x4e: {  	[sflag:s22] =	ssyncset.done $0x0  }
0x4f: {  	[sflag:s22] =	ssyncadd.s32 $0xFFFFC000  }
0x50: {  	_ =	swait.ge [sflag:s21], $0x2000  }
0x51: {  	[sflag:s21] =	ssyncset.done $0x0  }
0x52: {  	[sflag:s21] =	ssyncadd.s32 $0xFFFFE000  }
0x53: {  	_ =	swait.ge [sflag:s22], $0x2000  }
0x54: {  	[sflag:s22] =	ssyncset.done $0x0  }
0x55: {  	[sflag:s22] =	ssyncadd.s32 $0xFFFFE000  }
0x56: {  	[hbm4b:s7+s4] =	stream.linear.scatter [tilespmem:s13], [sflag:$0x3], $0x6000, $0x38;
	[tilespmem:$0xC300] =	vst v63  }
0x57: {  	s24 =	sadd.s32 $0x1, s24  }
0x58: {  	[hbm4b:s8+s4] =	stream.linear.scatter [tilespmem:s15], [sflag:$0x4], $0x6000, $0x38;
	[tilespmem:$0xC300] =	vst v63  }
0x59: {  	p0 =	sne.s32 s24, s9;
	_ =	swait.ge [sflag:s10], $0x6000  }
.Ltmp1:
0x5a: {  	[sflag:s10] =	ssyncset.done $0x0;
	(pc) =	sbr.rel @p0 .LBB2_1-.Ltmp1, $4  }
0x5b: {  	[sflag:s10] =	ssyncadd.s32 $0xFFFFA000  }
0x5c: {  	_ =	swait.ge [sflag:s23], $0x6000  }
0x5d: {  	[sflag:s23] =	ssyncset.done $0x0  }
0x5e: {  	[sflag:s23] =	ssyncadd.s32 $0xFFFFA000  }
0x5f: {  	_ =	sfence.sel $0x180000  }
0x60: {  	[bflag:$0x0] =	sbarrier.arrive $0xFFFF  }
0x61: {  	p0 =	sne.s32 s0, $0x0;
	_ =	strace $0x90000050  }
0x62: {  	s0 =	sadd.s32 @!p0 $0x100000, s1;
	[bflag:$0x2] =	sbarrier.arrive $0xFFFF  }
0x63: {  	[sflag:s0] =	ssyncadd.tile.s32 @!p0 $0x1;
	_ =	shalt  }
.Lfunc_end2:
_tile_overlayer_lowered:
.L_overlay_start_2:
0x64: {  	(tag) =	ssettag $0x2  }
0x65: {  	s0 =	rddreg [dreg:$0x0];
	s2 =	stileid.u32  }
0x66: {  	s1 =	rddreg [dreg:$0x1];
	p0 =	sne.s32 s2, $0x0  }
0x67: {  	s3 =	rddreg [dreg:$0x2];
	[bflag:$0x3] =	sbarrier.arrive $0xFFFF;
	s2 =	simm.s32 @!p0 $0x1C04  }
0x68: {  	[timem:s3], [sflag:s2] =	dma.local @!p0 [hbm:s0], s1  }
0x69: {  	s0 =	simm.s32 @!p0 $0x4  }
0x6a: {  	_ =	swait.ge @!p0 [sflag:s0], s1  }
0x6b: {  	s1 =	ssub.s32 @!p0 $0x0, s1;
	[sflag:s0] =	ssyncset.done @!p0 $0x0  }
0x6c: {  	[sflag:s0] =	ssyncadd.s32 @!p0 s1  }
0x6d: {  	[bflag:$0x3] =	sbarrier.arrive $0xFFFF  }
0x6e: {  	_ =	shalt  }

</sc_bundles>
